<compile_context>
chip_gen: v7x
topology: tpu7x:2x2x1
jax: 0.10.2.dev20260603
libtpu: 0.0.44.dev20260713+nightly
codegen_flags: <defaults>
</compile_context>

<pallas_src>
import functools

import jax
import jax.numpy as jnp
from jax import lax
from jax.experimental import pallas as pl
from jax.experimental.pallas import tpu as pltpu
from jax.experimental.pallas import tpu_sc as plsc

CHUNK = 128
NBUF = 5


@functools.lru_cache(maxsize=None)
def _make_gather(n_idx: int, vocab: int, d: int):
    info = plsc.get_sparse_core_info()
    nc, ns = info.num_cores, info.num_subcores
    nw = nc * ns
    assert n_idx % (nw * CHUNK * NBUF) == 0
    per_w = n_idx // nw
    n_chunks = per_w // CHUNK
    n_groups = n_chunks // NBUF
    mesh = plsc.VectorSubcoreMesh(core_axis_name="c", subcore_axis_name="s")

    @functools.partial(
        pl.kernel,
        mesh=mesh,
        out_type=jax.ShapeDtypeStruct((n_idx, d), jnp.float32),
        scratch_types=[
            pltpu.VMEM((per_w,), jnp.int32),
            pltpu.VMEM((NBUF, CHUNK, d), jnp.float32),
            pltpu.SemaphoreType.DMA((NBUF,)),
            pltpu.SemaphoreType.DMA((NBUF,)),
        ],
    )
    def gather_kernel(table_hbm, idx_hbm, out_hbm, idx_v, rows_v, gsem, osem):
        wid = lax.axis_index("s") * nc + lax.axis_index("c")
        base = wid * per_w

        def gather_chunk(c, b):
            pltpu.async_copy(
                table_hbm.at[idx_v.at[pl.ds(c * CHUNK, CHUNK)]],
                rows_v.at[b], gsem.at[b])

        def gather_wait(b):
            pltpu.make_async_copy(
                table_hbm.at[idx_v.at[pl.ds(0, CHUNK)]],
                rows_v.at[b], gsem.at[b]).wait()

        def scatter_chunk(c, b):
            pltpu.async_copy(
                rows_v.at[b], out_hbm.at[pl.ds(base + c * CHUNK, CHUNK)],
                osem.at[b])

        def scatter_wait(b):
            pltpu.make_async_copy(
                rows_v.at[b], out_hbm.at[pl.ds(base, CHUNK)],
                osem.at[b]).wait()

        pltpu.sync_copy(idx_hbm.at[pl.ds(base, per_w)], idx_v)

        for b in range(NBUF):
            gather_chunk(b, b)

        def group(gi, carry):
            c0 = gi * NBUF
            for b in range(NBUF):
                gather_wait(b)
                scatter_chunk(c0 + b, b)
            for b in range(NBUF):
                nxt = c0 + b + NBUF

                @pl.when(nxt < n_chunks)
                def _():
                    scatter_wait(b)
                    gather_chunk(nxt, b)

            return carry

        lax.fori_loop(0, n_groups, group, 0)

        for b in range(NBUF):
            scatter_wait(b)

    return gather_kernel


def kernel(x, table):
    b, l = x.shape
    vocab, d = table.shape
    idx = jnp.swapaxes(x, 0, 1).astype(jnp.int32).reshape(-1)
    out = _make_gather(idx.shape[0], vocab, d)(table, idx)
    return jnp.swapaxes(out.reshape(l, b, d), 0, 1)

# --- scband reference (transcript-rebuilt; emitter-appended) ---
"""Pipeline reference for scband-embedder-15144054686457 (READ-ONLY COPY).

The authoritative reference and input builder live on the scoring server;
editing this copy changes nothing except your own understanding.
"""

import jax, jax.numpy as jnp
import numpy as np

VOCAB = 100000
D_MODEL = 128
B = 16384
L = 50

def setup_inputs(seed: int = 0) -> dict:
    key = jax.random.key(seed)
    k1, k2 = jax.random.split(key)
    x = jax.random.randint(k1, (B, L), 0, VOCAB, dtype=jnp.int64)
    # nn.Embedding default init: N(0, 1)
    table = jax.random.normal(k2, (VOCAB, D_MODEL), dtype=jnp.float32)
    return {"x": x, "table": table}

def reference(x, table):
    # Faithful to nn.Embedding forward: row gather from the table
    return jnp.take(table, x, axis=0)

if __name__ == "__main__":
    import jax
    _d = setup_inputs()
    print(jax.jit(kernel)(*tuple(_d.values())))

</pallas_src>

<mosaic_0001>
#map = affine_map<(d0, d1) -> (0, 0)>
#map1 = affine_map<(d0, d1) -> (0)>
module attributes {stable_mosaic.version = 14 : i64} {
  func.func @gather_kernel(%arg0: i32, %arg1: i32, %arg2: memref<100000x128xf32, #tpu.memory_space<hbm>>, %arg3: memref<819200xi32, #tpu.memory_space<hbm>>, %arg4: memref<819200x128xf32, #tpu.memory_space<hbm>>, %arg5: memref<25600xi32, #tpu.memory_space<vmem>>, %arg6: memref<5x128x128xf32, #tpu.memory_space<vmem>>, %arg7: memref<5x!tpu.dma_semaphore, #tpu.memory_space<semaphore_mem>>, %arg8: memref<5x!tpu.dma_semaphore, #tpu.memory_space<semaphore_mem>>) attributes {dimension_semantics = [#tpu.dimension_semantics<core_parallel>, #tpu.dimension_semantics<subcore_parallel>], iteration_bounds = array<i64: 2, 16>, scalar_prefetch = 0 : i64, scratch_operands = 4 : i64, tpu.core_type = #tpu.core_type<sc_vector_subcore>, window_params = [{transform_indices = #map}, {transform_indices = #map1}, {transform_indices = #map}]} {
    %mul3A = arith.constant 2 : i32
    %mul3A_0 = arith.muli %arg1, %mul3A : i32
    %add3A = arith.addi %mul3A_0, %arg0 : i32
    %mul3A_1 = arith.constant 25600 : i32
    %mul3A_2 = arith.muli %add3A, %mul3A_1 : i32
    "tpu.region"() ({
      %run_scoped3A = tpu.sem_alloc : memref<!tpu.dma_semaphore, #tpu.memory_space<semaphore_mem>>
      %dma_start3A_151 = tpu.memref_slice %arg3[%mul3A_2] : memref<819200xi32, #tpu.memory_space<hbm>> -> memref<25600xi32, #tpu.memory_space<hbm>>
      %dma_start3A_152 = tpu.memref_slice %arg3[%mul3A_2] : memref<819200xi32, #tpu.memory_space<hbm>> -> memref<25600xi32, #tpu.memory_space<hbm>>
      tpu.enqueue_dma source(%dma_start3A_152 : memref<25600xi32, #tpu.memory_space<hbm>>) target(%arg5 : memref<25600xi32, #tpu.memory_space<vmem>>) target_semaphore(%run_scoped3A : memref<!tpu.dma_semaphore, #tpu.memory_space<semaphore_mem>>)
      %dma_wait3A_153 = tpu.memref_slice %arg3[%mul3A_2] : memref<819200xi32, #tpu.memory_space<hbm>> -> memref<25600xi32, #tpu.memory_space<hbm>>
      %dma_wait3A_154 = tpu.memref_slice %arg3[%mul3A_2] : memref<819200xi32, #tpu.memory_space<hbm>> -> memref<25600xi32, #tpu.memory_space<hbm>>
      tpu.wait_dma2 semaphore(%run_scoped3A : memref<!tpu.dma_semaphore, #tpu.memory_space<semaphore_mem>>) src(%dma_wait3A_154 : memref<25600xi32, #tpu.memory_space<hbm>>) dst(%arg5 : memref<25600xi32, #tpu.memory_space<vmem>>)
      tpu.yield
    }) : () -> ()
    %dma_start3A = arith.constant 0 : i32
    %dma_start3A_3 = arith.constant 0 : i32
    %dma_start3A_4 = arith.constant 0 : i32
    %dma_start3A_5 = arith.constant 0 : i32
    %dma_start3A_6 = tpu.memref_slice %arg6[%dma_start3A, %dma_start3A_4, %dma_start3A_5] : memref<5x128x128xf32, #tpu.memory_space<vmem>> -> memref<1x128x128xf32, #tpu.memory_space<vmem>>
    %dma_start3A_7 = tpu.memref_squeeze %dma_start3A_6 : memref<1x128x128xf32, #tpu.memory_space<vmem>> -> memref<128x128xf32, #tpu.memory_space<vmem>>
    %dma_start3A_8 = arith.constant 0 : i32
    %dma_start3A_9 = tpu.memref_slice %arg5[%dma_start3A_8] : memref<25600xi32, #tpu.memory_space<vmem>> -> memref<128xi32, #tpu.memory_space<vmem>>
    %dma_start3A_10 = arith.constant 0 : i32
    %dma_start3A_11 = arith.constant 0 : i32
    %dma_start3A_12 = tpu.memref_slice %arg2[%dma_start3A_10, %dma_start3A_11] : memref<100000x128xf32, #tpu.memory_space<hbm>> -> memref<100000x128xf32, #tpu.memory_space<hbm>>
    %dma_start3A_13 = tpu.memref_slice %arg7[%dma_start3A_3] : memref<5x!tpu.dma_semaphore, #tpu.memory_space<semaphore_mem>> -> memref<1x!tpu.dma_semaphore, #tpu.memory_space<semaphore_mem>>
    %dma_start3A_14 = tpu.memref_squeeze %dma_start3A_13 : memref<1x!tpu.dma_semaphore, #tpu.memory_space<semaphore_mem>> -> memref<!tpu.dma_semaphore, #tpu.memory_space<semaphore_mem>>
    tpu.enqueue_indirect_dma source(%dma_start3A_12 : memref<100000x128xf32, #tpu.memory_space<hbm>>) target(%dma_start3A_7 : memref<128x128xf32, #tpu.memory_space<vmem>>) offsets(%dma_start3A_9 : memref<128xi32, #tpu.memory_space<vmem>>) semaphore(%dma_start3A_14 : memref<!tpu.dma_semaphore, #tpu.memory_space<semaphore_mem>>)
    %dma_start3A_15 = arith.constant 1 : i32
    %dma_start3A_16 = arith.constant 1 : i32
    %dma_start3A_17 = arith.constant 0 : i32
    %dma_start3A_18 = arith.constant 0 : i32
    %dma_start3A_19 = tpu.memref_slice %arg6[%dma_start3A_15, %dma_start3A_17, %dma_start3A_18] : memref<5x128x128xf32, #tpu.memory_space<vmem>> -> memref<1x128x128xf32, #tpu.memory_space<vmem>>
    %dma_start3A_20 = tpu.memref_squeeze %dma_start3A_19 : memref<1x128x128xf32, #tpu.memory_space<vmem>> -> memref<128x128xf32, #tpu.memory_space<vmem>>
    %dma_start3A_21 = arith.constant 128 : i32
    %dma_start3A_22 = tpu.memref_slice %arg5[%dma_start3A_21] : memref<25600xi32, #tpu.memory_space<vmem>> -> memref<128xi32, #tpu.memory_space<vmem>>
    %dma_start3A_23 = arith.constant 0 : i32
    %dma_start3A_24 = arith.constant 0 : i32
    %dma_start3A_25 = tpu.memref_slice %arg2[%dma_start3A_23, %dma_start3A_24] : memref<100000x128xf32, #tpu.memory_space<hbm>> -> memref<100000x128xf32, #tpu.memory_space<hbm>>
    %dma_start3A_26 = tpu.memref_slice %arg7[%dma_start3A_16] : memref<5x!tpu.dma_semaphore, #tpu.memory_space<semaphore_mem>> -> memref<1x!tpu.dma_semaphore, #tpu.memory_space<semaphore_mem>>
    %dma_start3A_27 = tpu.memref_squeeze %dma_start3A_26 : memref<1x!tpu.dma_semaphore, #tpu.memory_space<semaphore_mem>> -> memref<!tpu.dma_semaphore, #tpu.memory_space<semaphore_mem>>
    tpu.enqueue_indirect_dma source(%dma_start3A_25 : memref<100000x128xf32, #tpu.memory_space<hbm>>) target(%dma_start3A_20 : memref<128x128xf32, #tpu.memory_space<vmem>>) offsets(%dma_start3A_22 : memref<128xi32, #tpu.memory_space<vmem>>) semaphore(%dma_start3A_27 : memref<!tpu.dma_semaphore, #tpu.memory_space<semaphore_mem>>)
    %dma_start3A_28 = arith.constant 2 : i32
    %dma_start3A_29 = arith.constant 2 : i32
    %dma_start3A_30 = arith.constant 0 : i32
    %dma_start3A_31 = arith.constant 0 : i32
    %dma_start3A_32 = tpu.memref_slice %arg6[%dma_start3A_28, %dma_start3A_30, %dma_start3A_31] : memref<5x128x128xf32, #tpu.memory_space<vmem>> -> memref<1x128x128xf32, #tpu.memory_space<vmem>>
    %dma_start3A_33 = tpu.memref_squeeze %dma_start3A_32 : memref<1x128x128xf32, #tpu.memory_space<vmem>> -> memref<128x128xf32, #tpu.memory_space<vmem>>
    %dma_start3A_34 = arith.constant 256 : i32
    %dma_start3A_35 = tpu.memref_slice %arg5[%dma_start3A_34] : memref<25600xi32, #tpu.memory_space<vmem>> -> memref<128xi32, #tpu.memory_space<vmem>>
    %dma_start3A_36 = arith.constant 0 : i32
    %dma_start3A_37 = arith.constant 0 : i32
    %dma_start3A_38 = tpu.memref_slice %arg2[%dma_start3A_36, %dma_start3A_37] : memref<100000x128xf32, #tpu.memory_space<hbm>> -> memref<100000x128xf32, #tpu.memory_space<hbm>>
    %dma_start3A_39 = tpu.memref_slice %arg7[%dma_start3A_29] : memref<5x!tpu.dma_semaphore, #tpu.memory_space<semaphore_mem>> -> memref<1x!tpu.dma_semaphore, #tpu.memory_space<semaphore_mem>>
    %dma_start3A_40 = tpu.memref_squeeze %dma_start3A_39 : memref<1x!tpu.dma_semaphore, #tpu.memory_space<semaphore_mem>> -> memref<!tpu.dma_semaphore, #tpu.memory_space<semaphore_mem>>
    tpu.enqueue_indirect_dma source(%dma_start3A_38 : memref<100000x128xf32, #tpu.memory_space<hbm>>) target(%dma_start3A_33 : memref<128x128xf32, #tpu.memory_space<vmem>>) offsets(%dma_start3A_35 : memref<128xi32, #tpu.memory_space<vmem>>) semaphore(%dma_start3A_40 : memref<!tpu.dma_semaphore, #tpu.memory_space<semaphore_mem>>)
    %dma_start3A_41 = arith.constant 3 : i32
    %dma_start3A_42 = arith.constant 3 : i32
    %dma_start3A_43 = arith.constant 0 : i32
    %dma_start3A_44 = arith.constant 0 : i32
    %dma_start3A_45 = tpu.memref_slice %arg6[%dma_start3A_41, %dma_start3A_43, %dma_start3A_44] : memref<5x128x128xf32, #tpu.memory_space<vmem>> -> memref<1x128x128xf32, #tpu.memory_space<vmem>>
    %dma_start3A_46 = tpu.memref_squeeze %dma_start3A_45 : memref<1x128x128xf32, #tpu.memory_space<vmem>> -> memref<128x128xf32, #tpu.memory_space<vmem>>
    %dma_start3A_47 = arith.constant 384 : i32
    %dma_start3A_48 = tpu.memref_slice %arg5[%dma_start3A_47] : memref<25600xi32, #tpu.memory_space<vmem>> -> memref<128xi32, #tpu.memory_space<vmem>>
    %dma_start3A_49 = arith.constant 0 : i32
    %dma_start3A_50 = arith.constant 0 : i32
    %dma_start3A_51 = tpu.memref_slice %arg2[%dma_start3A_49, %dma_start3A_50] : memref<100000x128xf32, #tpu.memory_space<hbm>> -> memref<100000x128xf32, #tpu.memory_space<hbm>>
    %dma_start3A_52 = tpu.memref_slice %arg7[%dma_start3A_42] : memref<5x!tpu.dma_semaphore, #tpu.memory_space<semaphore_mem>> -> memref<1x!tpu.dma_semaphore, #tpu.memory_space<semaphore_mem>>
    %dma_start3A_53 = tpu.memref_squeeze %dma_start3A_52 : memref<1x!tpu.dma_semaphore, #tpu.memory_space<semaphore_mem>> -> memref<!tpu.dma_semaphore, #tpu.memory_space<semaphore_mem>>
    tpu.enqueue_indirect_dma source(%dma_start3A_51 : memref<100000x128xf32, #tpu.memory_space<hbm>>) target(%dma_start3A_46 : memref<128x128xf32, #tpu.memory_space<vmem>>) offsets(%dma_start3A_48 : memref<128xi32, #tpu.memory_space<vmem>>) semaphore(%dma_start3A_53 : memref<!tpu.dma_semaphore, #tpu.memory_space<semaphore_mem>>)
    %dma_start3A_54 = arith.constant 4 : i32
    %dma_start3A_55 = arith.constant 4 : i32
    %dma_start3A_56 = arith.constant 0 : i32
    %dma_start3A_57 = arith.constant 0 : i32
    %dma_start3A_58 = tpu.memref_slice %arg6[%dma_start3A_54, %dma_start3A_56, %dma_start3A_57] : memref<5x128x128xf32, #tpu.memory_space<vmem>> -> memref<1x128x128xf32, #tpu.memory_space<vmem>>
    %dma_start3A_59 = tpu.memref_squeeze %dma_start3A_58 : memref<1x128x128xf32, #tpu.memory_space<vmem>> -> memref<128x128xf32, #tpu.memory_space<vmem>>
    %dma_start3A_60 = arith.constant 512 : i32
    %dma_start3A_61 = tpu.memref_slice %arg5[%dma_start3A_60] : memref<25600xi32, #tpu.memory_space<vmem>> -> memref<128xi32, #tpu.memory_space<vmem>>
    %dma_start3A_62 = arith.constant 0 : i32
    %dma_start3A_63 = arith.constant 0 : i32
    %dma_start3A_64 = tpu.memref_slice %arg2[%dma_start3A_62, %dma_start3A_63] : memref<100000x128xf32, #tpu.memory_space<hbm>> -> memref<100000x128xf32, #tpu.memory_space<hbm>>
    %dma_start3A_65 = tpu.memref_slice %arg7[%dma_start3A_55] : memref<5x!tpu.dma_semaphore, #tpu.memory_space<semaphore_mem>> -> memref<1x!tpu.dma_semaphore, #tpu.memory_space<semaphore_mem>>
    %dma_start3A_66 = tpu.memref_squeeze %dma_start3A_65 : memref<1x!tpu.dma_semaphore, #tpu.memory_space<semaphore_mem>> -> memref<!tpu.dma_semaphore, #tpu.memory_space<semaphore_mem>>
    tpu.enqueue_indirect_dma source(%dma_start3A_64 : memref<100000x128xf32, #tpu.memory_space<hbm>>) target(%dma_start3A_59 : memref<128x128xf32, #tpu.memory_space<vmem>>) offsets(%dma_start3A_61 : memref<128xi32, #tpu.memory_space<vmem>>) semaphore(%dma_start3A_66 : memref<!tpu.dma_semaphore, #tpu.memory_space<semaphore_mem>>)
    %scan3A = arith.constant 0 : i32
    %scan3A_67 = arith.constant 0 : i32
    %scan3A_68 = arith.constant 40 : i32
    %scan3A_69 = arith.addi %scan3A_67, %scan3A_68 : i32
    %scan3A_70 = arith.constant 1 : i32
    scf.for %scan3A_151 = %scan3A_67 to %scan3A_69 step %scan3A_70  : i32 {
      %mul3A_152 = arith.constant 5 : i32
      %mul3A_153 = arith.muli %scan3A_151, %mul3A_152 : i32
      %dma_wait3A_154 = arith.constant 0 : i32
      %dma_wait3A_155 = arith.constant 0 : i32
      %dma_wait3A_156 = arith.constant 0 : i32
      %dma_wait3A_157 = arith.constant 0 : i32
      %dma_wait3A_158 = tpu.memref_slice %arg6[%dma_wait3A_154, %dma_wait3A_156, %dma_wait3A_157] : memref<5x128x128xf32, #tpu.memory_space<vmem>> -> memref<1x128x128xf32, #tpu.memory_space<vmem>>
      %dma_wait3A_159 = tpu.memref_squeeze %dma_wait3A_158 : memref<1x128x128xf32, #tpu.memory_space<vmem>> -> memref<128x128xf32, #tpu.memory_space<vmem>>
      %dma_wait3A_160 = arith.constant 0 : i32
      %dma_wait3A_161 = tpu.memref_slice %arg5[%dma_wait3A_160] : memref<25600xi32, #tpu.memory_space<vmem>> -> memref<128xi32, #tpu.memory_space<vmem>>
      %dma_wait3A_162 = arith.constant 0 : i32
      %dma_wait3A_163 = arith.constant 0 : i32
      %dma_wait3A_164 = tpu.memref_slice %arg2[%dma_wait3A_162, %dma_wait3A_163] : memref<100000x128xf32, #tpu.memory_space<hbm>> -> memref<100000x128xf32, #tpu.memory_space<hbm>>
      %dma_wait3A_165 = tpu.memref_slice %arg7[%dma_wait3A_155] : memref<5x!tpu.dma_semaphore, #tpu.memory_space<semaphore_mem>> -> memref<1x!tpu.dma_semaphore, #tpu.memory_space<semaphore_mem>>
      %dma_wait3A_166 = tpu.memref_squeeze %dma_wait3A_165 : memref<1x!tpu.dma_semaphore, #tpu.memory_space<semaphore_mem>> -> memref<!tpu.dma_semaphore, #tpu.memory_space<semaphore_mem>>
      tpu.wait_indirect_dma semaphore(%dma_wait3A_166 : memref<!tpu.dma_semaphore, #tpu.memory_space<semaphore_mem>>) src(%dma_wait3A_164 : memref<100000x128xf32, #tpu.memory_space<hbm>>) dst(%dma_wait3A_159 : memref<128x128xf32, #tpu.memory_space<vmem>>)
      %add3A_167 = arith.constant 0 : i32
      %add3A_168 = arith.addi %mul3A_153, %add3A_167 : i32
      %mul3A_169 = arith.constant 128 : i32
      %mul3A_170 = arith.muli %add3A_168, %mul3A_169 : i32
      %add3A_171 = arith.addi %mul3A_2, %mul3A_170 : i32
      %dma_start3A_172 = arith.constant 0 : i32
      %dma_start3A_173 = arith.constant 0 : i32
      %dma_start3A_174 = arith.constant 0 : i32
      %dma_start3A_175 = arith.constant 0 : i32
      %dma_start3A_176 = tpu.memref_slice %arg6[%dma_start3A_172, %dma_start3A_174, %dma_start3A_175] : memref<5x128x128xf32, #tpu.memory_space<vmem>> -> memref<1x128x128xf32, #tpu.memory_space<vmem>>
      %dma_start3A_177 = tpu.memref_squeeze %dma_start3A_176 : memref<1x128x128xf32, #tpu.memory_space<vmem>> -> memref<128x128xf32, #tpu.memory_space<vmem>>
      %dma_start3A_178 = arith.constant 0 : i32
      %dma_start3A_179 = tpu.memref_slice %arg4[%add3A_171, %dma_start3A_178] : memref<819200x128xf32, #tpu.memory_space<hbm>> -> memref<128x128xf32, #tpu.memory_space<hbm>>
      %dma_start3A_180 = tpu.memref_slice %arg8[%dma_start3A_173] : memref<5x!tpu.dma_semaphore, #tpu.memory_space<semaphore_mem>> -> memref<1x!tpu.dma_semaphore, #tpu.memory_space<semaphore_mem>>
      %dma_start3A_181 = tpu.memref_squeeze %dma_start3A_180 : memref<1x!tpu.dma_semaphore, #tpu.memory_space<semaphore_mem>> -> memref<!tpu.dma_semaphore, #tpu.memory_space<semaphore_mem>>
      %dma_start3A_182 = arith.constant 0 : i32
      %dma_start3A_183 = tpu.memref_slice %arg4[%add3A_171, %dma_start3A_182] : memref<819200x128xf32, #tpu.memory_space<hbm>> -> memref<128x128xf32, #tpu.memory_space<hbm>>
      %dma_start3A_184 = arith.constant 0 : i32
      %dma_start3A_185 = arith.constant 0 : i32
      %dma_start3A_186 = tpu.memref_slice %arg6[%dma_start3A_172, %dma_start3A_184, %dma_start3A_185] : memref<5x128x128xf32, #tpu.memory_space<vmem>> -> memref<1x128x128xf32, #tpu.memory_space<vmem>>
      %dma_start3A_187 = tpu.memref_squeeze %dma_start3A_186 : memref<1x128x128xf32, #tpu.memory_space<vmem>> -> memref<128x128xf32, #tpu.memory_space<vmem>>
      tpu.enqueue_dma source(%dma_start3A_187 : memref<128x128xf32, #tpu.memory_space<vmem>>) target(%dma_start3A_183 : memref<128x128xf32, #tpu.memory_space<hbm>>) target_semaphore(%dma_start3A_181 : memref<!tpu.dma_semaphore, #tpu.memory_space<semaphore_mem>>)
      %dma_wait3A_188 = arith.constant 1 : i32
      %dma_wait3A_189 = arith.constant 1 : i32
      %dma_wait3A_190 = arith.constant 0 : i32
      %dma_wait3A_191 = arith.constant 0 : i32
      %dma_wait3A_192 = tpu.memref_slice %arg6[%dma_wait3A_188, %dma_wait3A_190, %dma_wait3A_191] : memref<5x128x128xf32, #tpu.memory_space<vmem>> -> memref<1x128x128xf32, #tpu.memory_space<vmem>>
      %dma_wait3A_193 = tpu.memref_squeeze %dma_wait3A_192 : memref<1x128x128xf32, #tpu.memory_space<vmem>> -> memref<128x128xf32, #tpu.memory_space<vmem>>
      %dma_wait3A_194 = arith.constant 0 : i32
      %dma_wait3A_195 = tpu.memref_slice %arg5[%dma_wait3A_194] : memref<25600xi32, #tpu.memory_space<vmem>> -> memref<128xi32, #tpu.memory_space<vmem>>
      %dma_wait3A_196 = arith.constant 0 : i32
      %dma_wait3A_197 = arith.constant 0 : i32
      %dma_wait3A_198 = tpu.memref_slice %arg2[%dma_wait3A_196, %dma_wait3A_197] : memref<100000x128xf32, #tpu.memory_space<hbm>> -> memref<100000x128xf32, #tpu.memory_space<hbm>>
      %dma_wait3A_199 = tpu.memref_slice %arg7[%dma_wait3A_189] : memref<5x!tpu.dma_semaphore, #tpu.memory_space<semaphore_mem>> -> memref<1x!tpu.dma_semaphore, #tpu.memory_space<semaphore_mem>>
      %dma_wait3A_200 = tpu.memref_squeeze %dma_wait3A_199 : memref<1x!tpu.dma_semaphore, #tpu.memory_space<semaphore_mem>> -> memref<!tpu.dma_semaphore, #tpu.memory_space<semaphore_mem>>
      tpu.wait_indirect_dma semaphore(%dma_wait3A_200 : memref<!tpu.dma_semaphore, #tpu.memory_space<semaphore_mem>>) src(%dma_wait3A_198 : memref<100000x128xf32, #tpu.memory_space<hbm>>) dst(%dma_wait3A_193 : memref<128x128xf32, #tpu.memory_space<vmem>>)
      %add3A_201 = arith.constant 1 : i32
      %add3A_202 = arith.addi %mul3A_153, %add3A_201 : i32
      %mul3A_203 = arith.constant 128 : i32
      %mul3A_204 = arith.muli %add3A_202, %mul3A_203 : i32
      %add3A_205 = arith.addi %mul3A_2, %mul3A_204 : i32
      %dma_start3A_206 = arith.constant 1 : i32
      %dma_start3A_207 = arith.constant 1 : i32
      %dma_start3A_208 = arith.constant 0 : i32
      %dma_start3A_209 = arith.constant 0 : i32
      %dma_start3A_210 = tpu.memref_slice %arg6[%dma_start3A_206, %dma_start3A_208, %dma_start3A_209] : memref<5x128x128xf32, #tpu.memory_space<vmem>> -> memref<1x128x128xf32, #tpu.memory_space<vmem>>
      %dma_start3A_211 = tpu.memref_squeeze %dma_start3A_210 : memref<1x128x128xf32, #tpu.memory_space<vmem>> -> memref<128x128xf32, #tpu.memory_space<vmem>>
      %dma_start3A_212 = arith.constant 0 : i32
      %dma_start3A_213 = tpu.memref_slice %arg4[%add3A_205, %dma_start3A_212] : memref<819200x128xf32, #tpu.memory_space<hbm>> -> memref<128x128xf32, #tpu.memory_space<hbm>>
      %dma_start3A_214 = tpu.memref_slice %arg8[%dma_start3A_207] : memref<5x!tpu.dma_semaphore, #tpu.memory_space<semaphore_mem>> -> memref<1x!tpu.dma_semaphore, #tpu.memory_space<semaphore_mem>>
      %dma_start3A_215 = tpu.memref_squeeze %dma_start3A_214 : memref<1x!tpu.dma_semaphore, #tpu.memory_space<semaphore_mem>> -> memref<!tpu.dma_semaphore, #tpu.memory_space<semaphore_mem>>
      %dma_start3A_216 = arith.constant 0 : i32
      %dma_start3A_217 = tpu.memref_slice %arg4[%add3A_205, %dma_start3A_216] : memref<819200x128xf32, #tpu.memory_space<hbm>> -> memref<128x128xf32, #tpu.memory_space<hbm>>
      %dma_start3A_218 = arith.constant 0 : i32
      %dma_start3A_219 = arith.constant 0 : i32
      %dma_start3A_220 = tpu.memref_slice %arg6[%dma_start3A_206, %dma_start3A_218, %dma_start3A_219] : memref<5x128x128xf32, #tpu.memory_space<vmem>> -> memref<1x128x128xf32, #tpu.memory_space<vmem>>
      %dma_start3A_221 = tpu.memref_squeeze %dma_start3A_220 : memref<1x128x128xf32, #tpu.memory_space<vmem>> -> memref<128x128xf32, #tpu.memory_space<vmem>>
      tpu.enqueue_dma source(%dma_start3A_221 : memref<128x128xf32, #tpu.memory_space<vmem>>) target(%dma_start3A_217 : memref<128x128xf32, #tpu.memory_space<hbm>>) target_semaphore(%dma_start3A_215 : memref<!tpu.dma_semaphore, #tpu.memory_space<semaphore_mem>>)
      %dma_wait3A_222 = arith.constant 2 : i32
      %dma_wait3A_223 = arith.constant 2 : i32
      %dma_wait3A_224 = arith.constant 0 : i32
      %dma_wait3A_225 = arith.constant 0 : i32
      %dma_wait3A_226 = tpu.memref_slice %arg6[%dma_wait3A_222, %dma_wait3A_224, %dma_wait3A_225] : memref<5x128x128xf32, #tpu.memory_space<vmem>> -> memref<1x128x128xf32, #tpu.memory_space<vmem>>
      %dma_wait3A_227 = tpu.memref_squeeze %dma_wait3A_226 : memref<1x128x128xf32, #tpu.memory_space<vmem>> -> memref<128x128xf32, #tpu.memory_space<vmem>>
      %dma_wait3A_228 = arith.constant 0 : i32
      %dma_wait3A_229 = tpu.memref_slice %arg5[%dma_wait3A_228] : memref<25600xi32, #tpu.memory_space<vmem>> -> memref<128xi32, #tpu.memory_space<vmem>>
      %dma_wait3A_230 = arith.constant 0 : i32
      %dma_wait3A_231 = arith.constant 0 : i32
      %dma_wait3A_232 = tpu.memref_slice %arg2[%dma_wait3A_230, %dma_wait3A_231] : memref<100000x128xf32, #tpu.memory_space<hbm>> -> memref<100000x128xf32, #tpu.memory_space<hbm>>
      %dma_wait3A_233 = tpu.memref_slice %arg7[%dma_wait3A_223] : memref<5x!tpu.dma_semaphore, #tpu.memory_space<semaphore_mem>> -> memref<1x!tpu.dma_semaphore, #tpu.memory_space<semaphore_mem>>
      %dma_wait3A_234 = tpu.memref_squeeze %dma_wait3A_233 : memref<1x!tpu.dma_semaphore, #tpu.memory_space<semaphore_mem>> -> memref<!tpu.dma_semaphore, #tpu.memory_space<semaphore_mem>>
      tpu.wait_indirect_dma semaphore(%dma_wait3A_234 : memref<!tpu.dma_semaphore, #tpu.memory_space<semaphore_mem>>) src(%dma_wait3A_232 : memref<100000x128xf32, #tpu.memory_space<hbm>>) dst(%dma_wait3A_227 : memref<128x128xf32, #tpu.memory_space<vmem>>)
      %add3A_235 = arith.constant 2 : i32
      %add3A_236 = arith.addi %mul3A_153, %add3A_235 : i32
      %mul3A_237 = arith.constant 128 : i32
      %mul3A_238 = arith.muli %add3A_236, %mul3A_237 : i32
      %add3A_239 = arith.addi %mul3A_2, %mul3A_238 : i32
      %dma_start3A_240 = arith.constant 2 : i32
      %dma_start3A_241 = arith.constant 2 : i32
      %dma_start3A_242 = arith.constant 0 : i32
      %dma_start3A_243 = arith.constant 0 : i32
      %dma_start3A_244 = tpu.memref_slice %arg6[%dma_start3A_240, %dma_start3A_242, %dma_start3A_243] : memref<5x128x128xf32, #tpu.memory_space<vmem>> -> memref<1x128x128xf32, #tpu.memory_space<vmem>>
      %dma_start3A_245 = tpu.memref_squeeze %dma_start3A_244 : memref<1x128x128xf32, #tpu.memory_space<vmem>> -> memref<128x128xf32, #tpu.memory_space<vmem>>
      %dma_start3A_246 = arith.constant 0 : i32
      %dma_start3A_247 = tpu.memref_slice %arg4[%add3A_239, %dma_start3A_246] : memref<819200x128xf32, #tpu.memory_space<hbm>> -> memref<128x128xf32, #tpu.memory_space<hbm>>
      %dma_start3A_248 = tpu.memref_slice %arg8[%dma_start3A_241] : memref<5x!tpu.dma_semaphore, #tpu.memory_space<semaphore_mem>> -> memref<1x!tpu.dma_semaphore, #tpu.memory_space<semaphore_mem>>
      %dma_start3A_249 = tpu.memref_squeeze %dma_start3A_248 : memref<1x!tpu.dma_semaphore, #tpu.memory_space<semaphore_mem>> -> memref<!tpu.dma_semaphore, #tpu.memory_space<semaphore_mem>>
      %dma_start3A_250 = arith.constant 0 : i32
      %dma_start3A_251 = tpu.memref_slice %arg4[%add3A_239, %dma_start3A_250] : memref<819200x128xf32, #tpu.memory_space<hbm>> -> memref<128x128xf32, #tpu.memory_space<hbm>>
      %dma_start3A_252 = arith.constant 0 : i32
      %dma_start3A_253 = arith.constant 0 : i32
      %dma_start3A_254 = tpu.memref_slice %arg6[%dma_start3A_240, %dma_start3A_252, %dma_start3A_253] : memref<5x128x128xf32, #tpu.memory_space<vmem>> -> memref<1x128x128xf32, #tpu.memory_space<vmem>>
      %dma_start3A_255 = tpu.memref_squeeze %dma_start3A_254 : memref<1x128x128xf32, #tpu.memory_space<vmem>> -> memref<128x128xf32, #tpu.memory_space<vmem>>
      tpu.enqueue_dma source(%dma_start3A_255 : memref<128x128xf32, #tpu.memory_space<vmem>>) target(%dma_start3A_251 : memref<128x128xf32, #tpu.memory_space<hbm>>) target_semaphore(%dma_start3A_249 : memref<!tpu.dma_semaphore, #tpu.memory_space<semaphore_mem>>)
      %dma_wait3A_256 = arith.constant 3 : i32
      %dma_wait3A_257 = arith.constant 3 : i32
      %dma_wait3A_258 = arith.constant 0 : i32
      %dma_wait3A_259 = arith.constant 0 : i32
      %dma_wait3A_260 = tpu.memref_slice %arg6[%dma_wait3A_256, %dma_wait3A_258, %dma_wait3A_259] : memref<5x128x128xf32, #tpu.memory_space<vmem>> -> memref<1x128x128xf32, #tpu.memory_space<vmem>>
      %dma_wait3A_261 = tpu.memref_squeeze %dma_wait3A_260 : memref<1x128x128xf32, #tpu.memory_space<vmem>> -> memref<128x128xf32, #tpu.memory_space<vmem>>
      %dma_wait3A_262 = arith.constant 0 : i32
      %dma_wait3A_263 = tpu.memref_slice %arg5[%dma_wait3A_262] : memref<25600xi32, #tpu.memory_space<vmem>> -> memref<128xi32, #tpu.memory_space<vmem>>
      %dma_wait3A_264 = arith.constant 0 : i32
      %dma_wait3A_265 = arith.constant 0 : i32
      %dma_wait3A_266 = tpu.memref_slice %arg2[%dma_wait3A_264, %dma_wait3A_265] : memref<100000x128xf32, #tpu.memory_space<hbm>> -> memref<100000x128xf32, #tpu.memory_space<hbm>>
      %dma_wait3A_267 = tpu.memref_slice %arg7[%dma_wait3A_257] : memref<5x!tpu.dma_semaphore, #tpu.memory_space<semaphore_mem>> -> memref<1x!tpu.dma_semaphore, #tpu.memory_space<semaphore_mem>>
      %dma_wait3A_268 = tpu.memref_squeeze %dma_wait3A_267 : memref<1x!tpu.dma_semaphore, #tpu.memory_space<semaphore_mem>> -> memref<!tpu.dma_semaphore, #tpu.memory_space<semaphore_mem>>
      tpu.wait_indirect_dma semaphore(%dma_wait3A_268 : memref<!tpu.dma_semaphore, #tpu.memory_space<semaphore_mem>>) src(%dma_wait3A_266 : memref<100000x128xf32, #tpu.memory_space<hbm>>) dst(%dma_wait3A_261 : memref<128x128xf32, #tpu.memory_space<vmem>>)
      %add3A_269 = arith.constant 3 : i32
      %add3A_270 = arith.addi %mul3A_153, %add3A_269 : i32
      %mul3A_271 = arith.constant 128 : i32
      %mul3A_272 = arith.muli %add3A_270, %mul3A_271 : i32
      %add3A_273 = arith.addi %mul3A_2, %mul3A_272 : i32
      %dma_start3A_274 = arith.constant 3 : i32
      %dma_start3A_275 = arith.constant 3 : i32
      %dma_start3A_276 = arith.constant 0 : i32
      %dma_start3A_277 = arith.constant 0 : i32
      %dma_start3A_278 = tpu.memref_slice %arg6[%dma_start3A_274, %dma_start3A_276, %dma_start3A_277] : memref<5x128x128xf32, #tpu.memory_space<vmem>> -> memref<1x128x128xf32, #tpu.memory_space<vmem>>
      %dma_start3A_279 = tpu.memref_squeeze %dma_start3A_278 : memref<1x128x128xf32, #tpu.memory_space<vmem>> -> memref<128x128xf32, #tpu.memory_space<vmem>>
      %dma_start3A_280 = arith.constant 0 : i32
      %dma_start3A_281 = tpu.memref_slice %arg4[%add3A_273, %dma_start3A_280] : memref<819200x128xf32, #tpu.memory_space<hbm>> -> memref<128x128xf32, #tpu.memory_space<hbm>>
      %dma_start3A_282 = tpu.memref_slice %arg8[%dma_start3A_275] : memref<5x!tpu.dma_semaphore, #tpu.memory_space<semaphore_mem>> -> memref<1x!tpu.dma_semaphore, #tpu.memory_space<semaphore_mem>>
      %dma_start3A_283 = tpu.memref_squeeze %dma_start3A_282 : memref<1x!tpu.dma_semaphore, #tpu.memory_space<semaphore_mem>> -> memref<!tpu.dma_semaphore, #tpu.memory_space<semaphore_mem>>
      %dma_start3A_284 = arith.constant 0 : i32
      %dma_start3A_285 = tpu.memref_slice %arg4[%add3A_273, %dma_start3A_284] : memref<819200x128xf32, #tpu.memory_space<hbm>> -> memref<128x128xf32, #tpu.memory_space<hbm>>
      %dma_start3A_286 = arith.constant 0 : i32
      %dma_start3A_287 = arith.constant 0 : i32
      %dma_start3A_288 = tpu.memref_slice %arg6[%dma_start3A_274, %dma_start3A_286, %dma_start3A_287] : memref<5x128x128xf32, #tpu.memory_space<vmem>> -> memref<1x128x128xf32, #tpu.memory_space<vmem>>
      %dma_start3A_289 = tpu.memref_squeeze %dma_start3A_288 : memref<1x128x128xf32, #tpu.memory_space<vmem>> -> memref<128x128xf32, #tpu.memory_space<vmem>>
      tpu.enqueue_dma source(%dma_start3A_289 : memref<128x128xf32, #tpu.memory_space<vmem>>) target(%dma_start3A_285 : memref<128x128xf32, #tpu.memory_space<hbm>>) target_semaphore(%dma_start3A_283 : memref<!tpu.dma_semaphore, #tpu.memory_space<semaphore_mem>>)
      %dma_wait3A_290 = arith.constant 4 : i32
      %dma_wait3A_291 = arith.constant 4 : i32
      %dma_wait3A_292 = arith.constant 0 : i32
      %dma_wait3A_293 = arith.constant 0 : i32
      %dma_wait3A_294 = tpu.memref_slice %arg6[%dma_wait3A_290, %dma_wait3A_292, %dma_wait3A_293] : memref<5x128x128xf32, #tpu.memory_space<vmem>> -> memref<1x128x128xf32, #tpu.memory_space<vmem>>
      %dma_wait3A_295 = tpu.memref_squeeze %dma_wait3A_294 : memref<1x128x128xf32, #tpu.memory_space<vmem>> -> memref<128x128xf32, #tpu.memory_space<vmem>>
      %dma_wait3A_296 = arith.constant 0 : i32
      %dma_wait3A_297 = tpu.memref_slice %arg5[%dma_wait3A_296] : memref<25600xi32, #tpu.memory_space<vmem>> -> memref<128xi32, #tpu.memory_space<vmem>>
      %dma_wait3A_298 = arith.constant 0 : i32
      %dma_wait3A_299 = arith.constant 0 : i32
      %dma_wait3A_300 = tpu.memref_slice %arg2[%dma_wait3A_298, %dma_wait3A_299] : memref<100000x128xf32, #tpu.memory_space<hbm>> -> memref<100000x128xf32, #tpu.memory_space<hbm>>
      %dma_wait3A_301 = tpu.memref_slice %arg7[%dma_wait3A_291] : memref<5x!tpu.dma_semaphore, #tpu.memory_space<semaphore_mem>> -> memref<1x!tpu.dma_semaphore, #tpu.memory_space<semaphore_mem>>
      %dma_wait3A_302 = tpu.memref_squeeze %dma_wait3A_301 : memref<1x!tpu.dma_semaphore, #tpu.memory_space<semaphore_mem>> -> memref<!tpu.dma_semaphore, #tpu.memory_space<semaphore_mem>>
      tpu.wait_indirect_dma semaphore(%dma_wait3A_302 : memref<!tpu.dma_semaphore, #tpu.memory_space<semaphore_mem>>) src(%dma_wait3A_300 : memref<100000x128xf32, #tpu.memory_space<hbm>>) dst(%dma_wait3A_295 : memref<128x128xf32, #tpu.memory_space<vmem>>)
      %add3A_303 = arith.constant 4 : i32
      %add3A_304 = arith.addi %mul3A_153, %add3A_303 : i32
      %mul3A_305 = arith.constant 128 : i32
      %mul3A_306 = arith.muli %add3A_304, %mul3A_305 : i32
      %add3A_307 = arith.addi %mul3A_2, %mul3A_306 : i32
      %dma_start3A_308 = arith.constant 4 : i32
      %dma_start3A_309 = arith.constant 4 : i32
      %dma_start3A_310 = arith.constant 0 : i32
      %dma_start3A_311 = arith.constant 0 : i32
      %dma_start3A_312 = tpu.memref_slice %arg6[%dma_start3A_308, %dma_start3A_310, %dma_start3A_311] : memref<5x128x128xf32, #tpu.memory_space<vmem>> -> memref<1x128x128xf32, #tpu.memory_space<vmem>>
      %dma_start3A_313 = tpu.memref_squeeze %dma_start3A_312 : memref<1x128x128xf32, #tpu.memory_space<vmem>> -> memref<128x128xf32, #tpu.memory_space<vmem>>
      %dma_start3A_314 = arith.constant 0 : i32
      %dma_start3A_315 = tpu.memref_slice %arg4[%add3A_307, %dma_start3A_314] : memref<819200x128xf32, #tpu.memory_space<hbm>> -> memref<128x128xf32, #tpu.memory_space<hbm>>
      %dma_start3A_316 = tpu.memref_slice %arg8[%dma_start3A_309] : memref<5x!tpu.dma_semaphore, #tpu.memory_space<semaphore_mem>> -> memref<1x!tpu.dma_semaphore, #tpu.memory_space<semaphore_mem>>
      %dma_start3A_317 = tpu.memref_squeeze %dma_start3A_316 : memref<1x!tpu.dma_semaphore, #tpu.memory_space<semaphore_mem>> -> memref<!tpu.dma_semaphore, #tpu.memory_space<semaphore_mem>>
      %dma_start3A_318 = arith.constant 0 : i32
      %dma_start3A_319 = tpu.memref_slice %arg4[%add3A_307, %dma_start3A_318] : memref<819200x128xf32, #tpu.memory_space<hbm>> -> memref<128x128xf32, #tpu.memory_space<hbm>>
      %dma_start3A_320 = arith.constant 0 : i32
      %dma_start3A_321 = arith.constant 0 : i32
      %dma_start3A_322 = tpu.memref_slice %arg6[%dma_start3A_308, %dma_start3A_320, %dma_start3A_321] : memref<5x128x128xf32, #tpu.memory_space<vmem>> -> memref<1x128x128xf32, #tpu.memory_space<vmem>>
      %dma_start3A_323 = tpu.memref_squeeze %dma_start3A_322 : memref<1x128x128xf32, #tpu.memory_space<vmem>> -> memref<128x128xf32, #tpu.memory_space<vmem>>
      tpu.enqueue_dma source(%dma_start3A_323 : memref<128x128xf32, #tpu.memory_space<vmem>>) target(%dma_start3A_319 : memref<128x128xf32, #tpu.memory_space<hbm>>) target_semaphore(%dma_start3A_317 : memref<!tpu.dma_semaphore, #tpu.memory_space<semaphore_mem>>)
      %add3A_324 = arith.constant 0 : i32
      %add3A_325 = arith.addi %mul3A_153, %add3A_324 : i32
      %add3A_326 = arith.constant 5 : i32
      %add3A_327 = arith.addi %add3A_325, %add3A_326 : i32
      %lt3A = arith.constant 200 : i32
      %lt3A_328 = arith.cmpi slt, %add3A_327, %lt3A : i32
      %convert_element_type3A = arith.extui %lt3A_328 : i1 to i32
      %cond3A = arith.constant 0 : i32
      %cond3A_329 = arith.cmpi ne, %convert_element_type3A, %cond3A : i32
      scf.if %cond3A_329 {
        %dma_wait3A_366 = arith.constant 0 : i32
        %dma_wait3A_367 = arith.constant 0 : i32
        %dma_wait3A_368 = arith.constant 0 : i32
        %dma_wait3A_369 = arith.constant 0 : i32
        %dma_wait3A_370 = tpu.memref_slice %arg6[%dma_wait3A_366, %dma_wait3A_368, %dma_wait3A_369] : memref<5x128x128xf32, #tpu.memory_space<vmem>> -> memref<1x128x128xf32, #tpu.memory_space<vmem>>
        %dma_wait3A_371 = tpu.memref_squeeze %dma_wait3A_370 : memref<1x128x128xf32, #tpu.memory_space<vmem>> -> memref<128x128xf32, #tpu.memory_space<vmem>>
        %dma_wait3A_372 = arith.constant 0 : i32
        %dma_wait3A_373 = tpu.memref_slice %arg4[%mul3A_2, %dma_wait3A_372] : memref<819200x128xf32, #tpu.memory_space<hbm>> -> memref<128x128xf32, #tpu.memory_space<hbm>>
        %dma_wait3A_374 = tpu.memref_slice %arg8[%dma_wait3A_367] : memref<5x!tpu.dma_semaphore, #tpu.memory_space<semaphore_mem>> -> memref<1x!tpu.dma_semaphore, #tpu.memory_space<semaphore_mem>>
        %dma_wait3A_375 = tpu.memref_squeeze %dma_wait3A_374 : memref<1x!tpu.dma_semaphore, #tpu.memory_space<semaphore_mem>> -> memref<!tpu.dma_semaphore, #tpu.memory_space<semaphore_mem>>
        %dma_wait3A_376 = arith.constant 0 : i32
        %dma_wait3A_377 = tpu.memref_slice %arg4[%mul3A_2, %dma_wait3A_376] : memref<819200x128xf32, #tpu.memory_space<hbm>> -> memref<128x128xf32, #tpu.memory_space<hbm>>
        %dma_wait3A_378 = arith.constant 0 : i32
        %dma_wait3A_379 = arith.constant 0 : i32
        %dma_wait3A_380 = tpu.memref_slice %arg6[%dma_wait3A_366, %dma_wait3A_378, %dma_wait3A_379] : memref<5x128x128xf32, #tpu.memory_space<vmem>> -> memref<1x128x128xf32, #tpu.memory_space<vmem>>
        %dma_wait3A_381 = tpu.memref_squeeze %dma_wait3A_380 : memref<1x128x128xf32, #tpu.memory_space<vmem>> -> memref<128x128xf32, #tpu.memory_space<vmem>>
        tpu.wait_dma2 semaphore(%dma_wait3A_375 : memref<!tpu.dma_semaphore, #tpu.memory_space<semaphore_mem>>) src(%dma_wait3A_381 : memref<128x128xf32, #tpu.memory_space<vmem>>) dst(%dma_wait3A_377 : memref<128x128xf32, #tpu.memory_space<hbm>>)
        %mul3A_382 = arith.constant 128 : i32
        %mul3A_383 = arith.muli %add3A_327, %mul3A_382 : i32
        %dma_start3A_384 = arith.constant 0 : i32
        %dma_start3A_385 = arith.constant 0 : i32
        %dma_start3A_386 = arith.constant 0 : i32
        %dma_start3A_387 = arith.constant 0 : i32
        %dma_start3A_388 = tpu.memref_slice %arg6[%dma_start3A_384, %dma_start3A_386, %dma_start3A_387] : memref<5x128x128xf32, #tpu.memory_space<vmem>> -> memref<1x128x128xf32, #tpu.memory_space<vmem>>
        %dma_start3A_389 = tpu.memref_squeeze %dma_start3A_388 : memref<1x128x128xf32, #tpu.memory_space<vmem>> -> memref<128x128xf32, #tpu.memory_space<vmem>>
        %dma_start3A_390 = tpu.memref_slice %arg5[%mul3A_383] : memref<25600xi32, #tpu.memory_space<vmem>> -> memref<128xi32, #tpu.memory_space<vmem>>
        %dma_start3A_391 = arith.constant 0 : i32
        %dma_start3A_392 = arith.constant 0 : i32
        %dma_start3A_393 = tpu.memref_slice %arg2[%dma_start3A_391, %dma_start3A_392] : memref<100000x128xf32, #tpu.memory_space<hbm>> -> memref<100000x128xf32, #tpu.memory_space<hbm>>
        %dma_start3A_394 = tpu.memref_slice %arg7[%dma_start3A_385] : memref<5x!tpu.dma_semaphore, #tpu.memory_space<semaphore_mem>> -> memref<1x!tpu.dma_semaphore, #tpu.memory_space<semaphore_mem>>
        %dma_start3A_395 = tpu.memref_squeeze %dma_start3A_394 : memref<1x!tpu.dma_semaphore, #tpu.memory_space<semaphore_mem>> -> memref<!tpu.dma_semaphore, #tpu.memory_space<semaphore_mem>>
        tpu.enqueue_indirect_dma source(%dma_start3A_393 : memref<100000x128xf32, #tpu.memory_space<hbm>>) target(%dma_start3A_389 : memref<128x128xf32, #tpu.memory_space<vmem>>) offsets(%dma_start3A_390 : memref<128xi32, #tpu.memory_space<vmem>>) semaphore(%dma_start3A_395 : memref<!tpu.dma_semaphore, #tpu.memory_space<semaphore_mem>>)
      } else {
      }
      %add3A_330 = arith.constant 1 : i32
      %add3A_331 = arith.addi %mul3A_153, %add3A_330 : i32
      %add3A_332 = arith.constant 5 : i32
      %add3A_333 = arith.addi %add3A_331, %add3A_332 : i32
      %lt3A_334 = arith.constant 200 : i32
      %lt3A_335 = arith.cmpi slt, %add3A_333, %lt3A_334 : i32
      %convert_element_type3A_336 = arith.extui %lt3A_335 : i1 to i32
      %cond3A_337 = arith.constant 0 : i32
      %cond3A_338 = arith.cmpi ne, %convert_element_type3A_336, %cond3A_337 : i32
      scf.if %cond3A_338 {
        %dma_wait3A_366 = arith.constant 1 : i32
        %dma_wait3A_367 = arith.constant 1 : i32
        %dma_wait3A_368 = arith.constant 0 : i32
        %dma_wait3A_369 = arith.constant 0 : i32
        %dma_wait3A_370 = tpu.memref_slice %arg6[%dma_wait3A_366, %dma_wait3A_368, %dma_wait3A_369] : memref<5x128x128xf32, #tpu.memory_space<vmem>> -> memref<1x128x128xf32, #tpu.memory_space<vmem>>
        %dma_wait3A_371 = tpu.memref_squeeze %dma_wait3A_370 : memref<1x128x128xf32, #tpu.memory_space<vmem>> -> memref<128x128xf32, #tpu.memory_space<vmem>>
        %dma_wait3A_372 = arith.constant 0 : i32
        %dma_wait3A_373 = tpu.memref_slice %arg4[%mul3A_2, %dma_wait3A_372] : memref<819200x128xf32, #tpu.memory_space<hbm>> -> memref<128x128xf32, #tpu.memory_space<hbm>>
        %dma_wait3A_374 = tpu.memref_slice %arg8[%dma_wait3A_367] : memref<5x!tpu.dma_semaphore, #tpu.memory_space<semaphore_mem>> -> memref<1x!tpu.dma_semaphore, #tpu.memory_space<semaphore_mem>>
        %dma_wait3A_375 = tpu.memref_squeeze %dma_wait3A_374 : memref<1x!tpu.dma_semaphore, #tpu.memory_space<semaphore_mem>> -> memref<!tpu.dma_semaphore, #tpu.memory_space<semaphore_mem>>
        %dma_wait3A_376 = arith.constant 0 : i32
        %dma_wait3A_377 = tpu.memref_slice %arg4[%mul3A_2, %dma_wait3A_376] : memref<819200x128xf32, #tpu.memory_space<hbm>> -> memref<128x128xf32, #tpu.memory_space<hbm>>
        %dma_wait3A_378 = arith.constant 0 : i32
        %dma_wait3A_379 = arith.constant 0 : i32
        %dma_wait3A_380 = tpu.memref_slice %arg6[%dma_wait3A_366, %dma_wait3A_378, %dma_wait3A_379] : memref<5x128x128xf32, #tpu.memory_space<vmem>> -> memref<1x128x128xf32, #tpu.memory_space<vmem>>
        %dma_wait3A_381 = tpu.memref_squeeze %dma_wait3A_380 : memref<1x128x128xf32, #tpu.memory_space<vmem>> -> memref<128x128xf32, #tpu.memory_space<vmem>>
        tpu.wait_dma2 semaphore(%dma_wait3A_375 : memref<!tpu.dma_semaphore, #tpu.memory_space<semaphore_mem>>) src(%dma_wait3A_381 : memref<128x128xf32, #tpu.memory_space<vmem>>) dst(%dma_wait3A_377 : memref<128x128xf32, #tpu.memory_space<hbm>>)
        %mul3A_382 = arith.constant 128 : i32
        %mul3A_383 = arith.muli %add3A_333, %mul3A_382 : i32
        %dma_start3A_384 = arith.constant 1 : i32
        %dma_start3A_385 = arith.constant 1 : i32
        %dma_start3A_386 = arith.constant 0 : i32
        %dma_start3A_387 = arith.constant 0 : i32
        %dma_start3A_388 = tpu.memref_slice %arg6[%dma_start3A_384, %dma_start3A_386, %dma_start3A_387] : memref<5x128x128xf32, #tpu.memory_space<vmem>> -> memref<1x128x128xf32, #tpu.memory_space<vmem>>
        %dma_start3A_389 = tpu.memref_squeeze %dma_start3A_388 : memref<1x128x128xf32, #tpu.memory_space<vmem>> -> memref<128x128xf32, #tpu.memory_space<vmem>>
        %dma_start3A_390 = tpu.memref_slice %arg5[%mul3A_383] : memref<25600xi32, #tpu.memory_space<vmem>> -> memref<128xi32, #tpu.memory_space<vmem>>
        %dma_start3A_391 = arith.constant 0 : i32
        %dma_start3A_392 = arith.constant 0 : i32
        %dma_start3A_393 = tpu.memref_slice %arg2[%dma_start3A_391, %dma_start3A_392] : memref<100000x128xf32, #tpu.memory_space<hbm>> -> memref<100000x128xf32, #tpu.memory_space<hbm>>
        %dma_start3A_394 = tpu.memref_slice %arg7[%dma_start3A_385] : memref<5x!tpu.dma_semaphore, #tpu.memory_space<semaphore_mem>> -> memref<1x!tpu.dma_semaphore, #tpu.memory_space<semaphore_mem>>
        %dma_start3A_395 = tpu.memref_squeeze %dma_start3A_394 : memref<1x!tpu.dma_semaphore, #tpu.memory_space<semaphore_mem>> -> memref<!tpu.dma_semaphore, #tpu.memory_space<semaphore_mem>>
        tpu.enqueue_indirect_dma source(%dma_start3A_393 : memref<100000x128xf32, #tpu.memory_space<hbm>>) target(%dma_start3A_389 : memref<128x128xf32, #tpu.memory_space<vmem>>) offsets(%dma_start3A_390 : memref<128xi32, #tpu.memory_space<vmem>>) semaphore(%dma_start3A_395 : memref<!tpu.dma_semaphore, #tpu.memory_space<semaphore_mem>>)
      } else {
      }
      %add3A_339 = arith.constant 2 : i32
      %add3A_340 = arith.addi %mul3A_153, %add3A_339 : i32
      %add3A_341 = arith.constant 5 : i32
      %add3A_342 = arith.addi %add3A_340, %add3A_341 : i32
      %lt3A_343 = arith.constant 200 : i32
      %lt3A_344 = arith.cmpi slt, %add3A_342, %lt3A_343 : i32
      %convert_element_type3A_345 = arith.extui %lt3A_344 : i1 to i32
      %cond3A_346 = arith.constant 0 : i32
      %cond3A_347 = arith.cmpi ne, %convert_element_type3A_345, %cond3A_346 : i32
      scf.if %cond3A_347 {
        %dma_wait3A_366 = arith.constant 2 : i32
        %dma_wait3A_367 = arith.constant 2 : i32
        %dma_wait3A_368 = arith.constant 0 : i32
        %dma_wait3A_369 = arith.constant 0 : i32
        %dma_wait3A_370 = tpu.memref_slice %arg6[%dma_wait3A_366, %dma_wait3A_368, %dma_wait3A_369] : memref<5x128x128xf32, #tpu.memory_space<vmem>> -> memref<1x128x128xf32, #tpu.memory_space<vmem>>
        %dma_wait3A_371 = tpu.memref_squeeze %dma_wait3A_370 : memref<1x128x128xf32, #tpu.memory_space<vmem>> -> memref<128x128xf32, #tpu.memory_space<vmem>>
        %dma_wait3A_372 = arith.constant 0 : i32
        %dma_wait3A_373 = tpu.memref_slice %arg4[%mul3A_2, %dma_wait3A_372] : memref<819200x128xf32, #tpu.memory_space<hbm>> -> memref<128x128xf32, #tpu.memory_space<hbm>>
        %dma_wait3A_374 = tpu.memref_slice %arg8[%dma_wait3A_367] : memref<5x!tpu.dma_semaphore, #tpu.memory_space<semaphore_mem>> -> memref<1x!tpu.dma_semaphore, #tpu.memory_space<semaphore_mem>>
        %dma_wait3A_375 = tpu.memref_squeeze %dma_wait3A_374 : memref<1x!tpu.dma_semaphore, #tpu.memory_space<semaphore_mem>> -> memref<!tpu.dma_semaphore, #tpu.memory_space<semaphore_mem>>
        %dma_wait3A_376 = arith.constant 0 : i32
        %dma_wait3A_377 = tpu.memref_slice %arg4[%mul3A_2, %dma_wait3A_376] : memref<819200x128xf32, #tpu.memory_space<hbm>> -> memref<128x128xf32, #tpu.memory_space<hbm>>
        %dma_wait3A_378 = arith.constant 0 : i32
        %dma_wait3A_379 = arith.constant 0 : i32
        %dma_wait3A_380 = tpu.memref_slice %arg6[%dma_wait3A_366, %dma_wait3A_378, %dma_wait3A_379] : memref<5x128x128xf32, #tpu.memory_space<vmem>> -> memref<1x128x128xf32, #tpu.memory_space<vmem>>
        %dma_wait3A_381 = tpu.memref_squeeze %dma_wait3A_380 : memref<1x128x128xf32, #tpu.memory_space<vmem>> -> memref<128x128xf32, #tpu.memory_space<vmem>>
        tpu.wait_dma2 semaphore(%dma_wait3A_375 : memref<!tpu.dma_semaphore, #tpu.memory_space<semaphore_mem>>) src(%dma_wait3A_381 : memref<128x128xf32, #tpu.memory_space<vmem>>) dst(%dma_wait3A_377 : memref<128x128xf32, #tpu.memory_space<hbm>>)
        %mul3A_382 = arith.constant 128 : i32
        %mul3A_383 = arith.muli %add3A_342, %mul3A_382 : i32
        %dma_start3A_384 = arith.constant 2 : i32
        %dma_start3A_385 = arith.constant 2 : i32
        %dma_start3A_386 = arith.constant 0 : i32
        %dma_start3A_387 = arith.constant 0 : i32
        %dma_start3A_388 = tpu.memref_slice %arg6[%dma_start3A_384, %dma_start3A_386, %dma_start3A_387] : memref<5x128x128xf32, #tpu.memory_space<vmem>> -> memref<1x128x128xf32, #tpu.memory_space<vmem>>
        %dma_start3A_389 = tpu.memref_squeeze %dma_start3A_388 : memref<1x128x128xf32, #tpu.memory_space<vmem>> -> memref<128x128xf32, #tpu.memory_space<vmem>>
        %dma_start3A_390 = tpu.memref_slice %arg5[%mul3A_383] : memref<25600xi32, #tpu.memory_space<vmem>> -> memref<128xi32, #tpu.memory_space<vmem>>
        %dma_start3A_391 = arith.constant 0 : i32
        %dma_start3A_392 = arith.constant 0 : i32
        %dma_start3A_393 = tpu.memref_slice %arg2[%dma_start3A_391, %dma_start3A_392] : memref<100000x128xf32, #tpu.memory_space<hbm>> -> memref<100000x128xf32, #tpu.memory_space<hbm>>
        %dma_start3A_394 = tpu.memref_slice %arg7[%dma_start3A_385] : memref<5x!tpu.dma_semaphore, #tpu.memory_space<semaphore_mem>> -> memref<1x!tpu.dma_semaphore, #tpu.memory_space<semaphore_mem>>
        %dma_start3A_395 = tpu.memref_squeeze %dma_start3A_394 : memref<1x!tpu.dma_semaphore, #tpu.memory_space<semaphore_mem>> -> memref<!tpu.dma_semaphore, #tpu.memory_space<semaphore_mem>>
        tpu.enqueue_indirect_dma source(%dma_start3A_393 : memref<100000x128xf32, #tpu.memory_space<hbm>>) target(%dma_start3A_389 : memref<128x128xf32, #tpu.memory_space<vmem>>) offsets(%dma_start3A_390 : memref<128xi32, #tpu.memory_space<vmem>>) semaphore(%dma_start3A_395 : memref<!tpu.dma_semaphore, #tpu.memory_space<semaphore_mem>>)
      } else {
      }
      %add3A_348 = arith.constant 3 : i32
      %add3A_349 = arith.addi %mul3A_153, %add3A_348 : i32
      %add3A_350 = arith.constant 5 : i32
      %add3A_351 = arith.addi %add3A_349, %add3A_350 : i32
      %lt3A_352 = arith.constant 200 : i32
      %lt3A_353 = arith.cmpi slt, %add3A_351, %lt3A_352 : i32
      %convert_element_type3A_354 = arith.extui %lt3A_353 : i1 to i32
      %cond3A_355 = arith.constant 0 : i32
      %cond3A_356 = arith.cmpi ne, %convert_element_type3A_354, %cond3A_355 : i32
      scf.if %cond3A_356 {
        %dma_wait3A_366 = arith.constant 3 : i32
        %dma_wait3A_367 = arith.constant 3 : i32
        %dma_wait3A_368 = arith.constant 0 : i32
        %dma_wait3A_369 = arith.constant 0 : i32
        %dma_wait3A_370 = tpu.memref_slice %arg6[%dma_wait3A_366, %dma_wait3A_368, %dma_wait3A_369] : memref<5x128x128xf32, #tpu.memory_space<vmem>> -> memref<1x128x128xf32, #tpu.memory_space<vmem>>
        %dma_wait3A_371 = tpu.memref_squeeze %dma_wait3A_370 : memref<1x128x128xf32, #tpu.memory_space<vmem>> -> memref<128x128xf32, #tpu.memory_space<vmem>>
        %dma_wait3A_372 = arith.constant 0 : i32
        %dma_wait3A_373 = tpu.memref_slice %arg4[%mul3A_2, %dma_wait3A_372] : memref<819200x128xf32, #tpu.memory_space<hbm>> -> memref<128x128xf32, #tpu.memory_space<hbm>>
        %dma_wait3A_374 = tpu.memref_slice %arg8[%dma_wait3A_367] : memref<5x!tpu.dma_semaphore, #tpu.memory_space<semaphore_mem>> -> memref<1x!tpu.dma_semaphore, #tpu.memory_space<semaphore_mem>>
        %dma_wait3A_375 = tpu.memref_squeeze %dma_wait3A_374 : memref<1x!tpu.dma_semaphore, #tpu.memory_space<semaphore_mem>> -> memref<!tpu.dma_semaphore, #tpu.memory_space<semaphore_mem>>
        %dma_wait3A_376 = arith.constant 0 : i32
        %dma_wait3A_377 = tpu.memref_slice %arg4[%mul3A_2, %dma_wait3A_376] : memref<819200x128xf32, #tpu.memory_space<hbm>> -> memref<128x128xf32, #tpu.memory_space<hbm>>
        %dma_wait3A_378 = arith.constant 0 : i32
        %dma_wait3A_379 = arith.constant 0 : i32
        %dma_wait3A_380 = tpu.memref_slice %arg6[%dma_wait3A_366, %dma_wait3A_378, %dma_wait3A_379] : memref<5x128x128xf32, #tpu.memory_space<vmem>> -> memref<1x128x128xf32, #tpu.memory_space<vmem>>
        %dma_wait3A_381 = tpu.memref_squeeze %dma_wait3A_380 : memref<1x128x128xf32, #tpu.memory_space<vmem>> -> memref<128x128xf32, #tpu.memory_space<vmem>>
        tpu.wait_dma2 semaphore(%dma_wait3A_375 : memref<!tpu.dma_semaphore, #tpu.memory_space<semaphore_mem>>) src(%dma_wait3A_381 : memref<128x128xf32, #tpu.memory_space<vmem>>) dst(%dma_wait3A_377 : memref<128x128xf32, #tpu.memory_space<hbm>>)
        %mul3A_382 = arith.constant 128 : i32
        %mul3A_383 = arith.muli %add3A_351, %mul3A_382 : i32
        %dma_start3A_384 = arith.constant 3 : i32
        %dma_start3A_385 = arith.constant 3 : i32
        %dma_start3A_386 = arith.constant 0 : i32
        %dma_start3A_387 = arith.constant 0 : i32
        %dma_start3A_388 = tpu.memref_slice %arg6[%dma_start3A_384, %dma_start3A_386, %dma_start3A_387] : memref<5x128x128xf32, #tpu.memory_space<vmem>> -> memref<1x128x128xf32, #tpu.memory_space<vmem>>
        %dma_start3A_389 = tpu.memref_squeeze %dma_start3A_388 : memref<1x128x128xf32, #tpu.memory_space<vmem>> -> memref<128x128xf32, #tpu.memory_space<vmem>>
        %dma_start3A_390 = tpu.memref_slice %arg5[%mul3A_383] : memref<25600xi32, #tpu.memory_space<vmem>> -> memref<128xi32, #tpu.memory_space<vmem>>
        %dma_start3A_391 = arith.constant 0 : i32
        %dma_start3A_392 = arith.constant 0 : i32
        %dma_start3A_393 = tpu.memref_slice %arg2[%dma_start3A_391, %dma_start3A_392] : memref<100000x128xf32, #tpu.memory_space<hbm>> -> memref<100000x128xf32, #tpu.memory_space<hbm>>
        %dma_start3A_394 = tpu.memref_slice %arg7[%dma_start3A_385] : memref<5x!tpu.dma_semaphore, #tpu.memory_space<semaphore_mem>> -> memref<1x!tpu.dma_semaphore, #tpu.memory_space<semaphore_mem>>
        %dma_start3A_395 = tpu.memref_squeeze %dma_start3A_394 : memref<1x!tpu.dma_semaphore, #tpu.memory_space<semaphore_mem>> -> memref<!tpu.dma_semaphore, #tpu.memory_space<semaphore_mem>>
        tpu.enqueue_indirect_dma source(%dma_start3A_393 : memref<100000x128xf32, #tpu.memory_space<hbm>>) target(%dma_start3A_389 : memref<128x128xf32, #tpu.memory_space<vmem>>) offsets(%dma_start3A_390 : memref<128xi32, #tpu.memory_space<vmem>>) semaphore(%dma_start3A_395 : memref<!tpu.dma_semaphore, #tpu.memory_space<semaphore_mem>>)
      } else {
      }
      %add3A_357 = arith.constant 4 : i32
      %add3A_358 = arith.addi %mul3A_153, %add3A_357 : i32
      %add3A_359 = arith.constant 5 : i32
      %add3A_360 = arith.addi %add3A_358, %add3A_359 : i32
      %lt3A_361 = arith.constant 200 : i32
      %lt3A_362 = arith.cmpi slt, %add3A_360, %lt3A_361 : i32
      %convert_element_type3A_363 = arith.extui %lt3A_362 : i1 to i32
      %cond3A_364 = arith.constant 0 : i32
      %cond3A_365 = arith.cmpi ne, %convert_element_type3A_363, %cond3A_364 : i32
      scf.if %cond3A_365 {
        %dma_wait3A_366 = arith.constant 4 : i32
        %dma_wait3A_367 = arith.constant 4 : i32
        %dma_wait3A_368 = arith.constant 0 : i32
        %dma_wait3A_369 = arith.constant 0 : i32
        %dma_wait3A_370 = tpu.memref_slice %arg6[%dma_wait3A_366, %dma_wait3A_368, %dma_wait3A_369] : memref<5x128x128xf32, #tpu.memory_space<vmem>> -> memref<1x128x128xf32, #tpu.memory_space<vmem>>
        %dma_wait3A_371 = tpu.memref_squeeze %dma_wait3A_370 : memref<1x128x128xf32, #tpu.memory_space<vmem>> -> memref<128x128xf32, #tpu.memory_space<vmem>>
        %dma_wait3A_372 = arith.constant 0 : i32
        %dma_wait3A_373 = tpu.memref_slice %arg4[%mul3A_2, %dma_wait3A_372] : memref<819200x128xf32, #tpu.memory_space<hbm>> -> memref<128x128xf32, #tpu.memory_space<hbm>>
        %dma_wait3A_374 = tpu.memref_slice %arg8[%dma_wait3A_367] : memref<5x!tpu.dma_semaphore, #tpu.memory_space<semaphore_mem>> -> memref<1x!tpu.dma_semaphore, #tpu.memory_space<semaphore_mem>>
        %dma_wait3A_375 = tpu.memref_squeeze %dma_wait3A_374 : memref<1x!tpu.dma_semaphore, #tpu.memory_space<semaphore_mem>> -> memref<!tpu.dma_semaphore, #tpu.memory_space<semaphore_mem>>
        %dma_wait3A_376 = arith.constant 0 : i32
        %dma_wait3A_377 = tpu.memref_slice %arg4[%mul3A_2, %dma_wait3A_376] : memref<819200x128xf32, #tpu.memory_space<hbm>> -> memref<128x128xf32, #tpu.memory_space<hbm>>
        %dma_wait3A_378 = arith.constant 0 : i32
        %dma_wait3A_379 = arith.constant 0 : i32
        %dma_wait3A_380 = tpu.memref_slice %arg6[%dma_wait3A_366, %dma_wait3A_378, %dma_wait3A_379] : memref<5x128x128xf32, #tpu.memory_space<vmem>> -> memref<1x128x128xf32, #tpu.memory_space<vmem>>
        %dma_wait3A_381 = tpu.memref_squeeze %dma_wait3A_380 : memref<1x128x128xf32, #tpu.memory_space<vmem>> -> memref<128x128xf32, #tpu.memory_space<vmem>>
        tpu.wait_dma2 semaphore(%dma_wait3A_375 : memref<!tpu.dma_semaphore, #tpu.memory_space<semaphore_mem>>) src(%dma_wait3A_381 : memref<128x128xf32, #tpu.memory_space<vmem>>) dst(%dma_wait3A_377 : memref<128x128xf32, #tpu.memory_space<hbm>>)
        %mul3A_382 = arith.constant 128 : i32
        %mul3A_383 = arith.muli %add3A_360, %mul3A_382 : i32
        %dma_start3A_384 = arith.constant 4 : i32
        %dma_start3A_385 = arith.constant 4 : i32
        %dma_start3A_386 = arith.constant 0 : i32
        %dma_start3A_387 = arith.constant 0 : i32
        %dma_start3A_388 = tpu.memref_slice %arg6[%dma_start3A_384, %dma_start3A_386, %dma_start3A_387] : memref<5x128x128xf32, #tpu.memory_space<vmem>> -> memref<1x128x128xf32, #tpu.memory_space<vmem>>
        %dma_start3A_389 = tpu.memref_squeeze %dma_start3A_388 : memref<1x128x128xf32, #tpu.memory_space<vmem>> -> memref<128x128xf32, #tpu.memory_space<vmem>>
        %dma_start3A_390 = tpu.memref_slice %arg5[%mul3A_383] : memref<25600xi32, #tpu.memory_space<vmem>> -> memref<128xi32, #tpu.memory_space<vmem>>
        %dma_start3A_391 = arith.constant 0 : i32
        %dma_start3A_392 = arith.constant 0 : i32
        %dma_start3A_393 = tpu.memref_slice %arg2[%dma_start3A_391, %dma_start3A_392] : memref<100000x128xf32, #tpu.memory_space<hbm>> -> memref<100000x128xf32, #tpu.memory_space<hbm>>
        %dma_start3A_394 = tpu.memref_slice %arg7[%dma_start3A_385] : memref<5x!tpu.dma_semaphore, #tpu.memory_space<semaphore_mem>> -> memref<1x!tpu.dma_semaphore, #tpu.memory_space<semaphore_mem>>
        %dma_start3A_395 = tpu.memref_squeeze %dma_start3A_394 : memref<1x!tpu.dma_semaphore, #tpu.memory_space<semaphore_mem>> -> memref<!tpu.dma_semaphore, #tpu.memory_space<semaphore_mem>>
        tpu.enqueue_indirect_dma source(%dma_start3A_393 : memref<100000x128xf32, #tpu.memory_space<hbm>>) target(%dma_start3A_389 : memref<128x128xf32, #tpu.memory_space<vmem>>) offsets(%dma_start3A_390 : memref<128xi32, #tpu.memory_space<vmem>>) semaphore(%dma_start3A_395 : memref<!tpu.dma_semaphore, #tpu.memory_space<semaphore_mem>>)
      } else {
      }
    }
    %scan3A_71 = arith.constant 40 : i32
    %dma_wait3A = arith.constant 0 : i32
    %dma_wait3A_72 = arith.constant 0 : i32
    %dma_wait3A_73 = arith.constant 0 : i32
    %dma_wait3A_74 = arith.constant 0 : i32
    %dma_wait3A_75 = tpu.memref_slice %arg6[%dma_wait3A, %dma_wait3A_73, %dma_wait3A_74] : memref<5x128x128xf32, #tpu.memory_space<vmem>> -> memref<1x128x128xf32, #tpu.memory_space<vmem>>
    %dma_wait3A_76 = tpu.memref_squeeze %dma_wait3A_75 : memref<1x128x128xf32, #tpu.memory_space<vmem>> -> memref<128x128xf32, #tpu.memory_space<vmem>>
    %dma_wait3A_77 = arith.constant 0 : i32
    %dma_wait3A_78 = tpu.memref_slice %arg4[%mul3A_2, %dma_wait3A_77] : memref<819200x128xf32, #tpu.memory_space<hbm>> -> memref<128x128xf32, #tpu.memory_space<hbm>>
    %dma_wait3A_79 = tpu.memref_slice %arg8[%dma_wait3A_72] : memref<5x!tpu.dma_semaphore, #tpu.memory_space<semaphore_mem>> -> memref<1x!tpu.dma_semaphore, #tpu.memory_space<semaphore_mem>>
    %dma_wait3A_80 = tpu.memref_squeeze %dma_wait3A_79 : memref<1x!tpu.dma_semaphore, #tpu.memory_space<semaphore_mem>> -> memref<!tpu.dma_semaphore, #tpu.memory_space<semaphore_mem>>
    %dma_wait3A_81 = arith.constant 0 : i32
    %dma_wait3A_82 = tpu.memref_slice %arg4[%mul3A_2, %dma_wait3A_81] : memref<819200x128xf32, #tpu.memory_space<hbm>> -> memref<128x128xf32, #tpu.memory_space<hbm>>
    %dma_wait3A_83 = arith.constant 0 : i32
    %dma_wait3A_84 = arith.constant 0 : i32
    %dma_wait3A_85 = tpu.memref_slice %arg6[%dma_wait3A, %dma_wait3A_83, %dma_wait3A_84] : memref<5x128x128xf32, #tpu.memory_space<vmem>> -> memref<1x128x128xf32, #tpu.memory_space<vmem>>
    %dma_wait3A_86 = tpu.memref_squeeze %dma_wait3A_85 : memref<1x128x128xf32, #tpu.memory_space<vmem>> -> memref<128x128xf32, #tpu.memory_space<vmem>>
    tpu.wait_dma2 semaphore(%dma_wait3A_80 : memref<!tpu.dma_semaphore, #tpu.memory_space<semaphore_mem>>) src(%dma_wait3A_86 : memref<128x128xf32, #tpu.memory_space<vmem>>) dst(%dma_wait3A_82 : memref<128x128xf32, #tpu.memory_space<hbm>>)
    %dma_wait3A_87 = arith.constant 1 : i32
    %dma_wait3A_88 = arith.constant 1 : i32
    %dma_wait3A_89 = arith.constant 0 : i32
    %dma_wait3A_90 = arith.constant 0 : i32
    %dma_wait3A_91 = tpu.memref_slice %arg6[%dma_wait3A_87, %dma_wait3A_89, %dma_wait3A_90] : memref<5x128x128xf32, #tpu.memory_space<vmem>> -> memref<1x128x128xf32, #tpu.memory_space<vmem>>
    %dma_wait3A_92 = tpu.memref_squeeze %dma_wait3A_91 : memref<1x128x128xf32, #tpu.memory_space<vmem>> -> memref<128x128xf32, #tpu.memory_space<vmem>>
    %dma_wait3A_93 = arith.constant 0 : i32
    %dma_wait3A_94 = tpu.memref_slice %arg4[%mul3A_2, %dma_wait3A_93] : memref<819200x128xf32, #tpu.memory_space<hbm>> -> memref<128x128xf32, #tpu.memory_space<hbm>>
    %dma_wait3A_95 = tpu.memref_slice %arg8[%dma_wait3A_88] : memref<5x!tpu.dma_semaphore, #tpu.memory_space<semaphore_mem>> -> memref<1x!tpu.dma_semaphore, #tpu.memory_space<semaphore_mem>>
    %dma_wait3A_96 = tpu.memref_squeeze %dma_wait3A_95 : memref<1x!tpu.dma_semaphore, #tpu.memory_space<semaphore_mem>> -> memref<!tpu.dma_semaphore, #tpu.memory_space<semaphore_mem>>
    %dma_wait3A_97 = arith.constant 0 : i32
    %dma_wait3A_98 = tpu.memref_slice %arg4[%mul3A_2, %dma_wait3A_97] : memref<819200x128xf32, #tpu.memory_space<hbm>> -> memref<128x128xf32, #tpu.memory_space<hbm>>
    %dma_wait3A_99 = arith.constant 0 : i32
    %dma_wait3A_100 = arith.constant 0 : i32
    %dma_wait3A_101 = tpu.memref_slice %arg6[%dma_wait3A_87, %dma_wait3A_99, %dma_wait3A_100] : memref<5x128x128xf32, #tpu.memory_space<vmem>> -> memref<1x128x128xf32, #tpu.memory_space<vmem>>
    %dma_wait3A_102 = tpu.memref_squeeze %dma_wait3A_101 : memref<1x128x128xf32, #tpu.memory_space<vmem>> -> memref<128x128xf32, #tpu.memory_space<vmem>>
    tpu.wait_dma2 semaphore(%dma_wait3A_96 : memref<!tpu.dma_semaphore, #tpu.memory_space<semaphore_mem>>) src(%dma_wait3A_102 : memref<128x128xf32, #tpu.memory_space<vmem>>) dst(%dma_wait3A_98 : memref<128x128xf32, #tpu.memory_space<hbm>>)
    %dma_wait3A_103 = arith.constant 2 : i32
    %dma_wait3A_104 = arith.constant 2 : i32
    %dma_wait3A_105 = arith.constant 0 : i32
    %dma_wait3A_106 = arith.constant 0 : i32
    %dma_wait3A_107 = tpu.memref_slice %arg6[%dma_wait3A_103, %dma_wait3A_105, %dma_wait3A_106] : memref<5x128x128xf32, #tpu.memory_space<vmem>> -> memref<1x128x128xf32, #tpu.memory_space<vmem>>
    %dma_wait3A_108 = tpu.memref_squeeze %dma_wait3A_107 : memref<1x128x128xf32, #tpu.memory_space<vmem>> -> memref<128x128xf32, #tpu.memory_space<vmem>>
    %dma_wait3A_109 = arith.constant 0 : i32
    %dma_wait3A_110 = tpu.memref_slice %arg4[%mul3A_2, %dma_wait3A_109] : memref<819200x128xf32, #tpu.memory_space<hbm>> -> memref<128x128xf32, #tpu.memory_space<hbm>>
    %dma_wait3A_111 = tpu.memref_slice %arg8[%dma_wait3A_104] : memref<5x!tpu.dma_semaphore, #tpu.memory_space<semaphore_mem>> -> memref<1x!tpu.dma_semaphore, #tpu.memory_space<semaphore_mem>>
    %dma_wait3A_112 = tpu.memref_squeeze %dma_wait3A_111 : memref<1x!tpu.dma_semaphore, #tpu.memory_space<semaphore_mem>> -> memref<!tpu.dma_semaphore, #tpu.memory_space<semaphore_mem>>
    %dma_wait3A_113 = arith.constant 0 : i32
    %dma_wait3A_114 = tpu.memref_slice %arg4[%mul3A_2, %dma_wait3A_113] : memref<819200x128xf32, #tpu.memory_space<hbm>> -> memref<128x128xf32, #tpu.memory_space<hbm>>
    %dma_wait3A_115 = arith.constant 0 : i32
    %dma_wait3A_116 = arith.constant 0 : i32
    %dma_wait3A_117 = tpu.memref_slice %arg6[%dma_wait3A_103, %dma_wait3A_115, %dma_wait3A_116] : memref<5x128x128xf32, #tpu.memory_space<vmem>> -> memref<1x128x128xf32, #tpu.memory_space<vmem>>
    %dma_wait3A_118 = tpu.memref_squeeze %dma_wait3A_117 : memref<1x128x128xf32, #tpu.memory_space<vmem>> -> memref<128x128xf32, #tpu.memory_space<vmem>>
    tpu.wait_dma2 semaphore(%dma_wait3A_112 : memref<!tpu.dma_semaphore, #tpu.memory_space<semaphore_mem>>) src(%dma_wait3A_118 : memref<128x128xf32, #tpu.memory_space<vmem>>) dst(%dma_wait3A_114 : memref<128x128xf32, #tpu.memory_space<hbm>>)
    %dma_wait3A_119 = arith.constant 3 : i32
    %dma_wait3A_120 = arith.constant 3 : i32
    %dma_wait3A_121 = arith.constant 0 : i32
    %dma_wait3A_122 = arith.constant 0 : i32
    %dma_wait3A_123 = tpu.memref_slice %arg6[%dma_wait3A_119, %dma_wait3A_121, %dma_wait3A_122] : memref<5x128x128xf32, #tpu.memory_space<vmem>> -> memref<1x128x128xf32, #tpu.memory_space<vmem>>
    %dma_wait3A_124 = tpu.memref_squeeze %dma_wait3A_123 : memref<1x128x128xf32, #tpu.memory_space<vmem>> -> memref<128x128xf32, #tpu.memory_space<vmem>>
    %dma_wait3A_125 = arith.constant 0 : i32
    %dma_wait3A_126 = tpu.memref_slice %arg4[%mul3A_2, %dma_wait3A_125] : memref<819200x128xf32, #tpu.memory_space<hbm>> -> memref<128x128xf32, #tpu.memory_space<hbm>>
    %dma_wait3A_127 = tpu.memref_slice %arg8[%dma_wait3A_120] : memref<5x!tpu.dma_semaphore, #tpu.memory_space<semaphore_mem>> -> memref<1x!tpu.dma_semaphore, #tpu.memory_space<semaphore_mem>>
    %dma_wait3A_128 = tpu.memref_squeeze %dma_wait3A_127 : memref<1x!tpu.dma_semaphore, #tpu.memory_space<semaphore_mem>> -> memref<!tpu.dma_semaphore, #tpu.memory_space<semaphore_mem>>
    %dma_wait3A_129 = arith.constant 0 : i32
    %dma_wait3A_130 = tpu.memref_slice %arg4[%mul3A_2, %dma_wait3A_129] : memref<819200x128xf32, #tpu.memory_space<hbm>> -> memref<128x128xf32, #tpu.memory_space<hbm>>
    %dma_wait3A_131 = arith.constant 0 : i32
    %dma_wait3A_132 = arith.constant 0 : i32
    %dma_wait3A_133 = tpu.memref_slice %arg6[%dma_wait3A_119, %dma_wait3A_131, %dma_wait3A_132] : memref<5x128x128xf32, #tpu.memory_space<vmem>> -> memref<1x128x128xf32, #tpu.memory_space<vmem>>
    %dma_wait3A_134 = tpu.memref_squeeze %dma_wait3A_133 : memref<1x128x128xf32, #tpu.memory_space<vmem>> -> memref<128x128xf32, #tpu.memory_space<vmem>>
    tpu.wait_dma2 semaphore(%dma_wait3A_128 : memref<!tpu.dma_semaphore, #tpu.memory_space<semaphore_mem>>) src(%dma_wait3A_134 : memref<128x128xf32, #tpu.memory_space<vmem>>) dst(%dma_wait3A_130 : memref<128x128xf32, #tpu.memory_space<hbm>>)
    %dma_wait3A_135 = arith.constant 4 : i32
    %dma_wait3A_136 = arith.constant 4 : i32
    %dma_wait3A_137 = arith.constant 0 : i32
    %dma_wait3A_138 = arith.constant 0 : i32
    %dma_wait3A_139 = tpu.memref_slice %arg6[%dma_wait3A_135, %dma_wait3A_137, %dma_wait3A_138] : memref<5x128x128xf32, #tpu.memory_space<vmem>> -> memref<1x128x128xf32, #tpu.memory_space<vmem>>
    %dma_wait3A_140 = tpu.memref_squeeze %dma_wait3A_139 : memref<1x128x128xf32, #tpu.memory_space<vmem>> -> memref<128x128xf32, #tpu.memory_space<vmem>>
    %dma_wait3A_141 = arith.constant 0 : i32
    %dma_wait3A_142 = tpu.memref_slice %arg4[%mul3A_2, %dma_wait3A_141] : memref<819200x128xf32, #tpu.memory_space<hbm>> -> memref<128x128xf32, #tpu.memory_space<hbm>>
    %dma_wait3A_143 = tpu.memref_slice %arg8[%dma_wait3A_136] : memref<5x!tpu.dma_semaphore, #tpu.memory_space<semaphore_mem>> -> memref<1x!tpu.dma_semaphore, #tpu.memory_space<semaphore_mem>>
    %dma_wait3A_144 = tpu.memref_squeeze %dma_wait3A_143 : memref<1x!tpu.dma_semaphore, #tpu.memory_space<semaphore_mem>> -> memref<!tpu.dma_semaphore, #tpu.memory_space<semaphore_mem>>
    %dma_wait3A_145 = arith.constant 0 : i32
    %dma_wait3A_146 = tpu.memref_slice %arg4[%mul3A_2, %dma_wait3A_145] : memref<819200x128xf32, #tpu.memory_space<hbm>> -> memref<128x128xf32, #tpu.memory_space<hbm>>
    %dma_wait3A_147 = arith.constant 0 : i32
    %dma_wait3A_148 = arith.constant 0 : i32
    %dma_wait3A_149 = tpu.memref_slice %arg6[%dma_wait3A_135, %dma_wait3A_147, %dma_wait3A_148] : memref<5x128x128xf32, #tpu.memory_space<vmem>> -> memref<1x128x128xf32, #tpu.memory_space<vmem>>
    %dma_wait3A_150 = tpu.memref_squeeze %dma_wait3A_149 : memref<1x128x128xf32, #tpu.memory_space<vmem>> -> memref<128x128xf32, #tpu.memory_space<vmem>>
    tpu.wait_dma2 semaphore(%dma_wait3A_144 : memref<!tpu.dma_semaphore, #tpu.memory_space<semaphore_mem>>) src(%dma_wait3A_150 : memref<128x128xf32, #tpu.memory_space<vmem>>) dst(%dma_wait3A_146 : memref<128x128xf32, #tpu.memory_space<hbm>>)
    return
  }
}

</mosaic_0001>

<sc_bundles>
// kernel: kernel.3.cloned.1.call-start
scs
__scs_entry_jumppad:
0x0: {  	(pc) =	sbr.rel $0x88, $3  }
0x1: {  	(tag) =	ssettag $0x0;
	lr =	simm.s32 $0x1  }
0x2: {  	[smem:$0x3F9F] =	sst lr;
	_ =	strace $0xD0000000  }
0x3: {  	_ = 	snop  }
0x4: {  	_ = 	snop  }
0x5: {  	_ = 	snop  }
0x6: {  	_ = 	snop  }
0x7: {  	_ = 	snop  }
__scs_overlays_trampoline_lowered:
0x8: {  	[smem:$0x3FAE] =	sst s0  }
0x9: {  	[smem:$0x3FAF] =	sst s1  }
0xa: {  	[smem:$0x3FB0] =	sst s2  }
0xb: {  	[smem:$0x3FB1] =	sst s3  }
0xc: {  	[smem:$0x3FB2] =	sst s4  }
0xd: {  	[smem:$0x3FB3] =	sst s5  }
0xe: {  	[smem:$0x3FB4] =	sst s6  }
0xf: {  	[smem:$0x3FB5] =	sst s7  }
0x10: {  	[smem:$0x3FB6] =	sst s8  }
0x11: {  	[smem:$0x3FB7] =	sst s9;
	s0 =	simm.s32 @!p0 $0x0  }
0x12: {  	s1 =	sld [smem:$0x3F9D];
	s0 =	simm.s32 @p0 $0x1  }
0x13: {  	[smem:$0x3FB8] =	sst s0;
	s0 =	simm.s32 @!p1 $0x0  }
0x14: {  	s2 =	sld [smem:$0x3F9C];
	s0 =	simm.s32 @p1 $0x1  }
0x15: {  	[smem:$0x3FB9] =	sst s0;
	s0 =	simm.s32 @!p2 $0x0  }
0x16: {  	s3 =	sld [smem:$0x3FDB];
	s0 =	simm.s32 @p2 $0x1  }
0x17: {  	s4 =	simm.s32 $0x1BF5;
	[smem:$0x3FBB] =	sst s0  }
0x18: {  	s0 =	sld [smem:$0x3F9E];
	_ =	swait.ge [sflag:s4], $0x0  }
0x19: {  	s7 =	sld [smem:$0x3F9F]  }
0x1a: {  	s8 =	sadd.s32 $0xFFFFE003, lr  }
0x1b: {  	s9 =	sadd.s32 $0xFFFFFEF7, lr;
	s5 =	simm.s32 $0xFFFFFFFF;
	p2 =	slt.u32 s8, $0xFFFFF086  }
0x1c: {  	p1 =	slt.u32 s9, $0xF7A;
	s5 =	simm.s32 @!p2 $0x0  }
0x1d: {  	s5 =	simm.s32 @p1 $0x1;
	p0 =	seq.s32 s7, s2  }
0x1e: {  	s7 =	smul.u32 @!p0 $0xF7A, s2;
	p2 =	seq.s32 @!p0 s5, $0x0  }
0x1f: {  	s9 =	smul.u32 $0xF7A, s1;
	s8 =	simm.s32 @!p0 $0x1BF5;
	p2 =	por !p2, p0  }
0x20: {  	[sflag:s8] =	ssyncset.s32 @!p0 $0xFFFFF086;
	s6 =	sadd.s32 @!p0 s3, s7;
	s7 =	simm.s32 @!p0 $0x108  }
0x21: {  	s3 =	sadd.s32 s3, s9;
	s6 =	sadd.s32 @!p0 $0x88, s6;
	s7 =	simm.s32 @p2 $0x1082  }
0x22: {  	[simem:s7], [sflag:s8] =	dma.local @!p0 [hbm:s6], $0xF7A  }
0x23: {  	s9 =	sor.u32 $0xD0000000, s2;
	s6 =	simm.s32 $0x108;
	_ =	swait.ge @!p0 [sflag:s8], $0x0  }
0x24: {  	s3 =	sadd.s32 $0x88, s3;
	s6 =	simm.s32 @!p1 $0x1082;
	[sflag:s4] =	ssyncset.s32 $0xFFFFF086  }
0x25: {  	[simem:s6], [sflag:s4] =	dma.local [hbm:s3], $0xF7A  }
0x26: {  	[smem:$0x3F9F] =	sst s1;
	(tag) =	ssettag s2;
	_ =	strace s9  }
0x27: {  	s1 =	sld [smem:$0x3FAF]  }
0x28: {  	s2 =	sld [smem:$0x3FB0]  }
0x29: {  	s4 =	sld [smem:$0x3FB2]  }
0x2a: {  	p0 =	seq.s32 s5, $0x0;
	s5 =	sld [smem:$0x3FB3]  }
0x2b: {  	s6 =	sld [smem:$0x3FB4]  }
0x2c: {  	s7 =	sld [smem:$0x3FB5]  }
0x2d: {  	s3 =	simm.s32 $0x108;
	s8 =	sld [smem:$0x3FB6]  }
0x2e: {  	s3 =	simm.s32 @!p0 $0x1082;
	s9 =	sld [smem:$0x3FB7]  }
0x2f: {  	lr =	sadd.s32 s0, s3;
	s0 =	sld [smem:$0x3FAE]  }
0x30: {  	s3 =	sld [smem:$0x3FB1]  }
0x31: {  	[smem:$0x3FBA] =	sst s10  }
0x32: {  	s10 =	sld [smem:$0x3FB8];
	_ =	sdelay $0x3  }
0x33: {  	p0 =	seq.s32 s10, $0x1;
	s10 =	sld [smem:$0x3FBA];
	_ =	sdelay $0x3  }
0x34: {  	[smem:$0x3FBA] =	sst s10  }
0x35: {  	s10 =	sld [smem:$0x3FB9];
	_ =	sdelay $0x3  }
0x36: {  	p1 =	seq.s32 s10, $0x1;
	s10 =	sld [smem:$0x3FBA];
	_ =	sdelay $0x3  }
0x37: {  	[smem:$0x3FBA] =	sst s10  }
0x38: {  	s10 =	sld [smem:$0x3FBB]  }
0x39: {  	_ = 	snop;
	(pc) =	sbr.ind lr, $3  }
0x3a: {  	_ = 	snop  }
0x3b: {  	_ = 	snop  }
0x3c: {  	p2 =	seq.s32 s10, $0x1;
	s10 =	sld [smem:$0x3FBA]  }
0x3d: {  	_ =	shalt  }
0x3e: {  	_ =	shalt  }
0x3f: {  	_ =	shalt  }
0x40: {  	_ =	shalt  }
0x41: {  	_ =	shalt  }
0x42: {  	_ =	shalt  }
0x43: {  	_ =	shalt  }
0x44: {  	_ =	shalt  }
0x45: {  	_ =	shalt  }
0x46: {  	_ =	shalt  }
0x47: {  	_ =	shalt  }
0x48: {  	_ =	shalt  }
0x49: {  	_ =	shalt  }
0x4a: {  	_ =	shalt  }
0x4b: {  	_ =	shalt  }
0x4c: {  	_ =	shalt  }
0x4d: {  	_ =	shalt  }
0x4e: {  	_ =	shalt  }
0x4f: {  	_ =	shalt  }
0x50: {  	_ =	shalt  }
0x51: {  	_ =	shalt  }
0x52: {  	_ =	shalt  }
0x53: {  	_ =	shalt  }
0x54: {  	_ =	shalt  }
0x55: {  	_ =	shalt  }
0x56: {  	_ =	shalt  }
0x57: {  	_ =	shalt  }
0x58: {  	_ =	shalt  }
0x59: {  	_ =	shalt  }
0x5a: {  	_ =	shalt  }
0x5b: {  	_ =	shalt  }
0x5c: {  	_ =	shalt  }
0x5d: {  	_ =	shalt  }
0x5e: {  	_ =	shalt  }
0x5f: {  	_ =	shalt  }
0x60: {  	_ =	shalt  }
0x61: {  	_ =	shalt  }
0x62: {  	_ =	shalt  }
0x63: {  	_ =	shalt  }
0x64: {  	_ =	shalt  }
0x65: {  	_ =	shalt  }
0x66: {  	_ =	shalt  }
0x67: {  	_ =	shalt  }
0x68: {  	_ =	shalt  }
0x69: {  	_ =	shalt  }
0x6a: {  	_ =	shalt  }
0x6b: {  	_ =	shalt  }
0x6c: {  	_ =	shalt  }
0x6d: {  	_ =	shalt  }
0x6e: {  	_ =	shalt  }
0x6f: {  	_ =	shalt  }
0x70: {  	_ =	shalt  }
0x71: {  	_ =	shalt  }
0x72: {  	_ =	shalt  }
0x73: {  	_ =	shalt  }
0x74: {  	_ =	shalt  }
0x75: {  	_ =	shalt  }
0x76: {  	_ =	shalt  }
0x77: {  	_ =	shalt  }
0x78: {  	_ =	shalt  }
0x79: {  	_ =	shalt  }
0x7a: {  	_ =	shalt  }
0x7b: {  	_ =	shalt  }
0x7c: {  	_ =	shalt  }
0x7d: {  	_ =	shalt  }
0x7e: {  	_ =	shalt  }
0x7f: {  	_ =	shalt  }
0x80: {  	_ =	shalt  }
0x81: {  	_ =	shalt  }
0x82: {  	_ =	shalt  }
0x83: {  	_ =	shalt  }
0x84: {  	_ =	shalt  }
0x85: {  	_ =	shalt  }
0x86: {  	_ =	shalt  }
0x87: {  	_ =	shalt  }
.Lfunc_end0:
.L_simem_size_0:
called_computation_lowered:
.L_overlay_start_0:
0x88: {  	s2 =	sld [smem:$0x3FD9]  }
0x89: {  	s3 =	sld [smem:$0x3FFE];
	_ =	sdelay $0x1  }
0x8a: {  	s1 =	srdreg.scid  }
0x8b: {  	s0 =	sand.u32 $0x1, s1  }
0x8c: {  	s17 =	sshll.u32 s0, $0xA;
	s2 =	sadd.s32 s3, s2  }
0x8d: {  	s2 =	sadd.s32 s2, s17  }
0x8e: {  	[smem:$0x3FC6] =	sst s2  }
0x8f: {  	_ = 	snop  }
0x90: {  	s2 =	sld [smem:$0x3FC8]  }
0x91: {  	s18 =	sld [smem:$0x3FD0];
	(tm) =	ssettm $0x1  }
0x92: {  	s4 =	sld [smem:$0x3FFB];
	_ =	sdelay $0x3  }
0x93: {  	_ =	strace s4  }
0x94: {  	s4 =	sld [smem:$0x3FFC];
	_ =	sdelay $0x3  }
0x95: {  	_ =	strace s4  }
0x96: {  	s4 =	sld [smem:$0x3FFD];
	_ =	sdelay $0x3  }
0x97: {  	_ =	strace s4  }
0x98: {  	_ =	strace $0x8FFFFFFF  }
0x99: {  	s19 =	sld [smem:$0x3FDB];
	_ =	sdelay $0x1  }
0x9a: {  	s5 =	simm.s32 $_scs_section_size  }
0x9b: {  	s6 =	simm.s32 $_size__tile_overlayer_lowered;
	s7 =	simm.s32 $_tile_overlayer_lowered  }
0x9c: {  	s22 =	simm.s32 $0x1BFF;
	s21 =	sshll.u32 s7, $0x1;
	s4 =	sadd.s32 s5, s19  }
0x9d: {  	s8 =	simm.s32 $0x0;
	s20 =	sshll.u32 s6, $0x1;
	s6 =	sadd.s32 s21, s4  }
0x9e: {  	[timem:s8], [sflag:s22] =	dma.local [hbm:s6], s20  }
0x9f: {  	_ =	swait.ge [sflag:s22], s20  }
0xa0: {  	s5 =	ssub.s32 $0x0, s20;
	[sflag:s22] =	ssyncset.done $0x0  }
0xa1: {  	[sflag:s22] =	ssyncadd.s32 s5;
	_ =	sdelay $0x1  }
0xa2: {  	s23 =	simm.s32 $0x1B8B  }
0xa3: {  	_ =	swait.ge [sflag:s23], $0x1  }
0xa4: {  	[sflag:s23] =	ssyncset.done $0x0  }
0xa5: {  	s25 =	simm.s32 $0x1B8E;
	s24 =	sld [smem:$0x3FFE];
	[sflag:s23] =	ssyncadd.s32 $0xFFFFFFFF  }
0xa6: {  	s26 =	simm.s32 $execute0_lowered;
	[smem:$0x3FD2] =	sst s25  }
0xa7: {  	s6 =	sshll.u32 s26, $0x1;
	_ =	strace $0x80000046;
	[dreg:$0x1] =	wrdreg $0xFFFFFFFF  }
0xa8: {  	s28 =	simm.s32 $_size_execute0_lowered;
	s4 =	sadd.s32 s4, s6;
	[dreg:$0x0] =	wrdreg $0x0  }
0xa9: {  	s6 =	sshll.u32 s28, $0x1;
	[dreg:$0x2] =	wrdreg s4  }
0xaa: {  	[dreg:$0x3] =	wrdreg s6  }
0xab: {  	[dreg:$0x4] =	wrdreg $0xC0  }
0xac: {  	_ =	task [dreg:s8], $0x5FFFF  }
0xad: {  	[dreg:$0x1] =	wrdreg $0xFFFFFFFF  }
0xae: {  	[dreg:$0x0] =	wrdreg $0x60  }
0xaf: {  	[dreg:$0x2] =	wrdreg s2  }
0xb0: {  	[dreg:$0x3] =	wrdreg s24  }
0xb1: {  	[dreg:$0x4] =	wrdreg s18  }
0xb2: {  	[dreg:$0x5] =	wrdreg $0x9  }
0xb3: {  	_ =	task.clear_ibuf [dreg:s8], $0x6FFFF;
	_ =	strace $0x90000046  }
0xb4: {  	s29 =	simm.s32 $0x9;
	_ =	strace $0x80000048  }
0xb5: {  	_ =	swait.ge [sflag:s29], $0x1  }
0xb6: {  	[sflag:s29] =	ssyncadd.s32 $0xFFFFFFFF  }
0xb7: {  	_ =	strace $0x90000048  }
0xb8: {  	_ =	sfence  }
0xb9: {  	s30 =	sld [smem:$0x0];
	_ =	sdelay $0x2  }
0xba: {  	s31 =	sshll.u32 s1, $0xD;
	s1 =	sshrl.u32 s1, $0x2  }
0xbb: {  	s3 =	sand.u32 $0x4000, s31;
	s1 =	sadd.s32 s1, s30  }
0xbc: {  	s0 =	sor.u32 s3, s0;
	s1 =	sshll.u32 s1, $0x11  }
0xbd: {  	s0 =	sor.u32 s1, s0  }
0xbe: {  	s0 =	sadd.s32 $0x8F2B, s0  }
0xbf: {  	[sflag:s0] =	ssyncadd.remote.s32 $0x1  }
0xc0: {  	_ =	sfence.sel $0xFFFF  }
0xc1: {  	[dreg:$0x0] =	wrdreg $0xFFFFFFFF;
	(pc) =	sbr.abs _section_cstart, $3  }
0xc2: {  	[dreg:$0x1] =	wrdreg $0xFFFFFFFF  }
0xc3: {  	_ =	task.clear_ibuf [dreg:s8], $0x2FFFF;
	_ =	strace $0x9FFFFFFF  }
0xc4: {  	(tm) =	ssettm $0x7FFFFFFF  }
0xc5: {  	_ =	shalt  }
tec
execute0_lowered:
.L_overlay_start_1:
0x0: {  	(tag) =	ssettag $0x1  }
0x1: {  	s1 =	rddreg [dreg:$0x0];
	s2 =	srdreg.scid  }
0x2: {  	s0 =	stileid.u32;
	s4 =	rddreg [dreg:$0x1]  }
0x3: {  	s6 =	rddreg [dreg:$0x2];
	s3 =	simm.s32 $0x0;
	s11 =	simm.s32 $0x100  }
0x4: {  	s12 =	simm.s32 $0xE400;
	s13 =	simm.s32 $0x180;
	s14 =	simm.s32 $0x12400  }
0x5: {  	s15 =	simm.s32 $0x200;
	s16 =	simm.s32 $0x16400;
	s17 =	simm.s32 $0x1  }
0x6: {  	s18 =	simm.s32 $0x2;
	s19 =	simm.s32 $0x3;
	s20 =	simm.s32 $0x4  }
0x7: {  	s21 =	simm.s32 $0x5;
	s22 =	simm.s32 $0x6;
	s23 =	simm.s32 $0x7  }
0x8: {  	s24 =	simm.s32 $0x8;
	s25 =	simm.s32 $0x9;
	s26 =	simm.s32 $0xA  }
0x9: {  	s5 =	sand.u32 $0x1, s2;
	s30 =	sshll.u32 s0, $0x1;
	s8 =	smul.u32 $0xC8000, s0  }
0xa: {  	s7 =	sor.u32 s5, s30;
	s9 =	ssub.s32 $0x2, s5;
	s5 =	smul.u32 $0x64000, s5  }
0xb: {  	s28 =	simm.s32 $0x0;
	[smem:$0x7FF] =	sst s3;
	s7 =	smul.u32 $0x6400, s7  }
.Ltmp0:
0xc: {  	_ =	strace $0x80000047;
	s10 =	sshrl.u32 s9, $0x1;
	(pc) =	sbr.rel .LBB2_1-.Ltmp0, $4  }
0xd: {  	s6 =	sadd.s32 s8, s6;
	s8 =	simm.s32 $0x80;
	s31 =	ssub.s32 s9, s10  }
0xe: {  	s6 =	sadd.s32 s5, s6;
	s9 =	simm.s32 $0x6400;
	s7 =	sshrl.u32 s7, $0x3  }
0xf: {  	s10 =	simm.s32 $0xA400;
	s5 =	smax.u32 s31, $0x1;
	s4 =	sadd.s32 s7, s4  }
0x10: {  	s6 =	sadd.s32 $0x2000, s6;
	s7 =	simm.s32 $0xB;
	s4 =	sadd.s32 $0x400, s4  }
.LBB2_4:
0x11: {  	_ =	swait.ge [sflag:s23], $0x4000  }
0x12: {  	[sflag:s23] =	ssyncset.done $0x0  }
0x13: {  	[sflag:s23] =	ssyncadd.s32 $0xFFFFC000  }
0x14: {  	_ =	swait.ge [sflag:s24], $0x4000  }
0x15: {  	[sflag:s24] =	ssyncset.done $0x0  }
0x16: {  	s28 =	sadd.s32 $0x1, s28;
	[sflag:s24] =	ssyncadd.s32 $0xFFFFC000  }
0x17: {  	p0 =	sne.s32 s28, s5;
	_ =	swait.ge [sflag:s25], $0x4000  }
.Ltmp1:
0x18: {  	[sflag:s25] =	ssyncset.done $0x0;
	(pc) =	sbr.rel @!p0 .LBB2_5-.Ltmp1, $4  }
0x19: {  	[sflag:s25] =	ssyncadd.s32 $0xFFFFC000  }
0x1a: {  	_ =	swait.ge [sflag:s26], $0x4000  }
0x1b: {  	[sflag:s26] =	ssyncset.done $0x0  }
0x1c: {  	[sflag:s26] =	ssyncadd.s32 $0xFFFFC000  }
.LBB2_1:
0x1d: {  	[tilespmem:s3], [sflag:$0xB] =	stream.linear.gather [hbm4b:s4+s3], $0x6400, $0x38;
	[tilespmem:$0x1A400] =	vst v63  }
0x1e: {  	_ =	swait.ge [sflag:s7], $0x6400  }
0x1f: {  	[sflag:s7] =	ssyncset.done $0x0  }
0x20: {  	[sflag:s7] =	ssyncadd.s32 $0xFFFF9C00  }
0x21: {  	[tilespmem:s9], [sflag:$0x1] =	stream.indirect.gather [hbm4b:s1+s8], $0x80, s3, s8, $0xb8;
	[tilespmem:$0x1A400] =	vst v63  }
0x22: {  	_ = 	snop  }
0x23: {  	[tilespmem:s10], [sflag:$0x2] =	stream.indirect.gather [hbm4b:s1+s8], $0x80, s8, s8, $0xb8;
	[tilespmem:$0x1A400] =	vst v63  }
0x24: {  	_ = 	snop  }
0x25: {  	[tilespmem:s12], [sflag:$0x3] =	stream.indirect.gather [hbm4b:s1+s8], $0x80, s11, s8, $0xb8;
	[tilespmem:$0x1A400] =	vst v63  }
0x26: {  	_ = 	snop  }
0x27: {  	[tilespmem:s14], [sflag:$0x4] =	stream.indirect.gather [hbm4b:s1+s8], $0x80, s13, s8, $0xb8;
	[tilespmem:$0x1A400] =	vst v63  }
0x28: {  	s29 =	smov.u32 s6;
	s30 =	simm.s32 $0x0  }
0x29: {  	[tilespmem:s16], [sflag:$0x5] =	stream.indirect.gather [hbm4b:s1+s8], $0x80, s15, s8, $0xb8;
	[tilespmem:$0x1A400] =	vst v63  }
.LBB2_2:
0x2a: {  	_ =	swait.ge [sflag:s17], $0x4000  }
0x2b: {  	[sflag:s17] =	ssyncset.done $0x0  }
0x2c: {  	s31 =	sadd.s32 $0xFFFFE000, s29;
	[sflag:s17] =	ssyncadd.s32 $0xFFFFC000  }
0x2d: {  	[hbm4b:s31+s3] =	stream.linear.scatter [tilespmem:s9], [sflag:$0x6], $0x4000, $0x38;
	[tilespmem:$0x1A400] =	vst v63  }
0x2e: {  	_ =	swait.ge [sflag:s18], $0x4000  }
0x2f: {  	[sflag:s18] =	ssyncset.done $0x0  }
0x30: {  	s2 =	sadd.s32 $0xFFFFE800, s29;
	[sflag:s18] =	ssyncadd.s32 $0xFFFFC000  }
0x31: {  	[hbm4b:s2+s3] =	stream.linear.scatter [tilespmem:s10], [sflag:$0x7], $0x4000, $0x38;
	[tilespmem:$0x1A400] =	vst v63  }
0x32: {  	_ =	swait.ge [sflag:s19], $0x4000  }
0x33: {  	[sflag:s19] =	ssyncset.done $0x0  }
0x34: {  	s2 =	sadd.s32 $0xFFFFF000, s29;
	[sflag:s19] =	ssyncadd.s32 $0xFFFFC000  }
0x35: {  	[hbm4b:s2+s3] =	stream.linear.scatter [tilespmem:s12], [sflag:$0x8], $0x4000, $0x38;
	[tilespmem:$0x1A400] =	vst v63  }
0x36: {  	_ =	swait.ge [sflag:s20], $0x4000  }
0x37: {  	[sflag:s20] =	ssyncset.done $0x0  }
0x38: {  	s2 =	sadd.s32 $0xFFFFF800, s29;
	[sflag:s20] =	ssyncadd.s32 $0xFFFFC000  }
0x39: {  	[hbm4b:s2+s3] =	stream.linear.scatter [tilespmem:s14], [sflag:$0x9], $0x4000, $0x38;
	[tilespmem:$0x1A400] =	vst v63  }
0x3a: {  	_ =	swait.ge [sflag:s21], $0x4000  }
0x3b: {  	p0 =	seq.s32 s30, $0x18600;
	[sflag:s21] =	ssyncset.done $0x0  }
.Ltmp2:
0x3c: {  	[sflag:s21] =	ssyncadd.s32 $0xFFFFC000;
	(pc) =	sbr.rel @p0 .LBB2_4-.Ltmp2, $4  }
0x3d: {  	[hbm4b:s29+s3] =	stream.linear.scatter [tilespmem:s16], [sflag:$0xA], $0x4000, $0x38;
	[tilespmem:$0x1A400] =	vst v63  }
0x3e: {  	_ =	swait.ge [sflag:s22], $0x4000  }
0x3f: {  	[sflag:s22] =	ssyncset.done $0x0  }
0x40: {  	[sflag:s22] =	ssyncadd.s32 $0xFFFFC000  }
0x41: {  	s31 =	sshra.s32 s30, $0x2  }
0x42: {  	s2 =	sadd.s32 $0x280, s31  }
0x43: {  	[tilespmem:s9], [sflag:$0x1] =	stream.indirect.gather [hbm4b:s1+s8], $0x80, s2, s8, $0xb8;
	[tilespmem:$0x1A400] =	vst v63  }
0x44: {  	_ =	swait.ge [sflag:s23], $0x4000  }
0x45: {  	[sflag:s23] =	ssyncset.done $0x0  }
0x46: {  	s2 =	sadd.s32 $0x300, s31;
	[sflag:s23] =	ssyncadd.s32 $0xFFFFC000  }
0x47: {  	[tilespmem:s10], [sflag:$0x2] =	stream.indirect.gather [hbm4b:s1+s8], $0x80, s2, s8, $0xb8;
	[tilespmem:$0x1A400] =	vst v63  }
0x48: {  	_ =	swait.ge [sflag:s24], $0x4000  }
0x49: {  	[sflag:s24] =	ssyncset.done $0x0  }
0x4a: {  	s2 =	sadd.s32 $0x380, s31;
	[sflag:s24] =	ssyncadd.s32 $0xFFFFC000  }
0x4b: {  	[tilespmem:s12], [sflag:$0x3] =	stream.indirect.gather [hbm4b:s1+s8], $0x80, s2, s8, $0xb8;
	[tilespmem:$0x1A400] =	vst v63  }
0x4c: {  	_ =	swait.ge [sflag:s25], $0x4000  }
0x4d: {  	[sflag:s25] =	ssyncset.done $0x0  }
0x4e: {  	s2 =	sadd.s32 $0x400, s31;
	[sflag:s25] =	ssyncadd.s32 $0xFFFFC000  }
0x4f: {  	[tilespmem:s14], [sflag:$0x4] =	stream.indirect.gather [hbm4b:s1+s8], $0x80, s2, s8, $0xb8;
	[tilespmem:$0x1A400] =	vst v63  }
.Ltmp3:
0x50: {  	_ = 	snop;
	(pc) =	sbr.rel .LBB2_2-.Ltmp3, $4  }
0x51: {  	_ =	swait.ge [sflag:s26], $0x4000  }
0x52: {  	s30 =	sadd.s32 $0xA00, s30;
	[sflag:s26] =	ssyncset.done $0x0  }
0x53: {  	s29 =	sadd.s32 $0x2800, s29;
	s31 =	sadd.s32 $0x480, s31;
	[sflag:s26] =	ssyncadd.s32 $0xFFFFC000  }
0x54: {  	[tilespmem:s16], [sflag:$0x5] =	stream.indirect.gather [hbm4b:s1+s8], $0x80, s31, s8, $0xb8;
	[tilespmem:$0x1A400] =	vst v63  }
.LBB2_5:
0x55: {  	_ =	sfence.sel $0x180000  }
0x56: {  	[bflag:$0x0] =	sbarrier.arrive $0xFFFF  }
0x57: {  	_ =	strace $0x90000047  }
0x58: {  	[bflag:$0x2] =	sbarrier.arrive $0xFFFF  }
0x59: {  	p0 =	sne.s32 s0, $0x0;
	s0 =	rddreg [dreg:$0x3]  }
0x5a: {  	s0 =	sadd.s32 @!p0 $0x100000, s0  }
0x5b: {  	[sflag:s0] =	ssyncadd.tile.s32 @!p0 $0x1;
	_ =	shalt  }
.Lfunc_end2:
_tile_overlayer_lowered:
.L_overlay_start_2:
0x5c: {  	(tag) =	ssettag $0x2  }
0x5d: {  	s0 =	rddreg [dreg:$0x0];
	s2 =	stileid.u32  }
0x5e: {  	s1 =	rddreg [dreg:$0x1];
	p0 =	sne.s32 s2, $0x0  }
0x5f: {  	s3 =	rddreg [dreg:$0x2];
	[bflag:$0x3] =	sbarrier.arrive $0xFFFF;
	s2 =	simm.s32 @!p0 $0x1C0B  }
0x60: {  	[timem:s3], [sflag:s2] =	dma.local @!p0 [hbm:s0], s1  }
0x61: {  	s0 =	simm.s32 @!p0 $0xB  }
0x62: {  	_ =	swait.ge @!p0 [sflag:s0], s1  }
0x63: {  	s1 =	ssub.s32 @!p0 $0x0, s1;
	[sflag:s0] =	ssyncset.done @!p0 $0x0  }
0x64: {  	[sflag:s0] =	ssyncadd.s32 @!p0 s1  }
0x65: {  	[bflag:$0x3] =	sbarrier.arrive $0xFFFF  }
0x66: {  	_ =	shalt  }

</sc_bundles>
